<compile_context>
chip_gen: v7x
topology: tpu7x:2x2x1
jax: 0.10.2.dev20260603
libtpu: 0.0.44.dev20260713+nightly
codegen_flags: <defaults>
</compile_context>

<pallas_src>
import functools

import jax
import jax.numpy as jnp
from jax import lax
from jax.experimental import pallas as pl
from jax.experimental.pallas import tpu as pltpu
from jax.experimental.pallas import tpu_sc as plsc

N = 10000
E = 320000
D = 128
NC = 2
NS = 16
NW = NC * NS
NP = 10240
RPT = NP // NS
EPW = E // NW
C = 80
NCH = EPW // C
SB = 25
NSB = NCH // SB

_mesh = plsc.VectorSubcoreMesh(core_axis_name="c", subcore_axis_name="s")


DW = 16


@functools.partial(
    pl.kernel,
    out_type=jax.ShapeDtypeStruct((NC, NP, DW), jnp.float32),
    mesh=_mesh,
    compiler_params=pltpu.CompilerParams(use_tc_tiling_on_sc=False),
    scratch_types=[
        pltpu.VMEM((NCH, C), jnp.int32),
        pltpu.VMEM((C, DW), jnp.float32),
        pltpu.VMEM_SHARED((NP, DW), jnp.float32),
    ],
)
def _deg_kernel(dst_hbm, ones_hbm, zeros_hbm, out_hbm, idx_v, ones_v, deg_sh):
    cid = lax.axis_index("c")
    sid = lax.axis_index("s")
    wid = sid * NC + cid
    pltpu.sync_copy(dst_hbm.at[wid], idx_v)
    pltpu.sync_copy(ones_hbm, ones_v)
    pltpu.sync_copy(zeros_hbm, deg_sh.at[pl.ds(sid * RPT, RPT)])
    plsc.subcore_barrier()

    def body(j, carry):
        pltpu.sync_copy(ones_v, deg_sh.at[idx_v.at[j]], add=True)
        return carry

    lax.fori_loop(0, NCH, body, 0)
    plsc.subcore_barrier()
    pltpu.sync_copy(deg_sh.at[pl.ds(sid * RPT, RPT)],
                    out_hbm.at[cid, pl.ds(sid * RPT, RPT)])


@functools.partial(
    pl.kernel,
    out_type=jax.ShapeDtypeStruct((NC, NP, D), jnp.float32),
    mesh=_mesh,
    compiler_params=pltpu.CompilerParams(use_tc_tiling_on_sc=False),
    scratch_types=[
        pltpu.VMEM((SB, C), jnp.int32),
        pltpu.VMEM((SB, C), jnp.int32),
        pltpu.VMEM((C, D), jnp.float32),
        pltpu.VMEM((C, D), jnp.float32),
        pltpu.VMEM((C, D), jnp.float32),
        pltpu.VMEM_SHARED((NP, D), jnp.float32),
        pltpu.SemaphoreType.DMA,
        pltpu.SemaphoreType.DMA,
        pltpu.SemaphoreType.DMA,
    ],
)
def _agg_kernel(feat_hbm, src_hbm, dst_hbm, zeros_hbm, out_hbm,
                src_v, dst_v, rows0_v, rows1_v, rows2_v, agg_sh,
                sem0, sem1, sem2):
    cid = lax.axis_index("c")
    sid = lax.axis_index("s")
    wid = sid * NC + cid
    pltpu.sync_copy(zeros_hbm, agg_sh.at[pl.ds(sid * RPT, RPT)])
    plsc.subcore_barrier()

    def step(j, rows_v, sem):
        pltpu.make_async_copy(feat_hbm.at[src_v.at[j]], rows_v, sem).wait()
        pltpu.sync_copy(rows_v, agg_sh.at[dst_v.at[j]], add=True)

        @pl.when(j + 3 < SB)
        def _():
            pltpu.async_copy(feat_hbm.at[src_v.at[j + 3]], rows_v, sem)

    def inner(j, carry):
        @pl.when(j % 3 == 0)
        def _():
            step(j, rows0_v, sem0)

        @pl.when(j % 3 == 1)
        def _():
            step(j, rows1_v, sem1)

        @pl.when(j % 3 == 2)
        def _():
            step(j, rows2_v, sem2)

        return carry

    def outer(s, carry):
        pltpu.sync_copy(src_hbm.at[wid, s], src_v)
        pltpu.sync_copy(dst_hbm.at[wid, s], dst_v)
        pltpu.async_copy(feat_hbm.at[src_v.at[0]], rows0_v, sem0)
        pltpu.async_copy(feat_hbm.at[src_v.at[1]], rows1_v, sem1)
        pltpu.async_copy(feat_hbm.at[src_v.at[2]], rows2_v, sem2)
        lax.fori_loop(0, SB, inner, 0)
        return carry

    lax.fori_loop(0, NSB, outer, 0)
    plsc.subcore_barrier()
    pltpu.sync_copy(agg_sh.at[pl.ds(sid * RPT, RPT)],
                    out_hbm.at[cid, pl.ds(sid * RPT, RPT)])


def _dinv_from(degp_ref):
    deg = degp_ref[0] + degp_ref[1]
    dinv = lax.rsqrt(jnp.maximum(deg, 1.0))
    return jnp.where(deg > 0, dinv, 0.0)


def _prescale_body(degp_ref, x_ref, xs_ref):
    xs_ref[...] = x_ref[...] * _dinv_from(degp_ref)


_prescale = pl.pallas_call(
    _prescale_body,
    out_shape=jax.ShapeDtypeStruct((N, D), jnp.float32),
)


def _mid_body(degp_ref, p_ref, w_ref, b_ref, out_ref):
    dinv = _dinv_from(degp_ref)
    agg = (p_ref[0][:N] + p_ref[1][:N]) * dinv
    z1 = jnp.dot(agg, w_ref[...], preferred_element_type=jnp.float32) + b_ref[...]
    out_ref[...] = jnp.maximum(z1, 0.0) * dinv


_mid = pl.pallas_call(
    _mid_body,
    out_shape=jax.ShapeDtypeStruct((N, D), jnp.float32),
)


def _fin_body(degp_ref, q_ref, w_ref, b_ref, z_ref, g_ref):
    dinv = _dinv_from(degp_ref)
    agg = (q_ref[0][:N] + q_ref[1][:N]) * dinv
    z2 = jnp.dot(agg, w_ref[...], preferred_element_type=jnp.float32) + b_ref[...]
    z_ref[...] = z2
    g_ref[...] = jnp.mean(z2, axis=0, keepdims=True)


_fin = pl.pallas_call(
    _fin_body,
    out_shape=[
        jax.ShapeDtypeStruct((N, D), jnp.float32),
        jax.ShapeDtypeStruct((1, D), jnp.float32),
    ],
)


def kernel(x, edge_index, W1, b1, W2, b2):
    src = edge_index[0].reshape(NW, NSB, SB, C)
    dst = edge_index[1].reshape(NW, NSB, SB, C)
    dst2 = edge_index[1].reshape(NW, NCH, C)
    zD = jnp.zeros((RPT, D), jnp.float32)
    onesW = jnp.ones((C, DW), jnp.float32)
    zW = jnp.zeros((RPT, DW), jnp.float32)
    degf = _deg_kernel(dst2, onesW, zW)
    degp = degf[:, :N, 0:1]
    xs = _prescale(degp, x)
    p = _agg_kernel(xs, src, dst, zD)
    zs1 = _mid(degp, p, W1, b1.reshape(1, D))
    q = _agg_kernel(zs1, src, dst, zD)
    z2, g2 = _fin(degp, q, W2, b2.reshape(1, D))
    return (z2, g2)

# --- scband reference (transcript-rebuilt; emitter-appended) ---
"""Pipeline reference for scband-gcnencoder-60601988546576 (READ-ONLY COPY).

The authoritative reference and input builder live on the scoring server;
editing this copy changes nothing except your own understanding.
"""

import jax, jax.numpy as jnp
import numpy as np

N = 10000
E = 320000
D = 128


def setup_inputs(seed: int = 0) -> dict:
    key = jax.random.key(seed)
    k1, k2, k3, k4 = jax.random.split(key, 4)
    x = jax.random.normal(k1, (N, D), dtype=jnp.float32)
    edge_index = jax.random.randint(k2, (2, E), 0, N, dtype=jnp.int32)
    scale = 1.0 / np.sqrt(D)
    W1 = jax.random.normal(k3, (D, D), dtype=jnp.float32) * scale
    b1 = jnp.zeros((D,), dtype=jnp.float32)
    W2 = jax.random.normal(k4, (D, D), dtype=jnp.float32) * scale
    b2 = jnp.zeros((D,), dtype=jnp.float32)
    return {"x": x, "edge_index": edge_index, "W1": W1, "b1": b1, "W2": W2, "b2": b2}


def _gcn_layer(x, src, dst, W, b):
    n = x.shape[0]
    deg = jnp.zeros((n,), dtype=x.dtype).at[dst].add(1.0)
    dinv = jax.lax.rsqrt(jnp.maximum(deg, 1.0))
    dinv = jnp.where(deg > 0, dinv, 0.0)
    norm = dinv[src] * dinv[dst]
    msg = x[src] * norm[:, None]
    agg = jnp.zeros_like(x).at[dst].add(msg)
    return agg @ W + b


def _pool_mean(z, batch, num_graphs=1):
    s = jax.ops.segment_sum(z, batch, num_segments=num_graphs)
    cnt = jax.ops.segment_sum(jnp.ones((z.shape[0],), dtype=z.dtype), batch, num_segments=num_graphs)
    return s / jnp.maximum(cnt, 1.0)[:, None]


def reference(x, edge_index, W1, b1, W2, b2):
    # GCNEncoder.forward: batch is None -> zeros; no perturbations.
    batch = jnp.zeros((x.shape[0],), dtype=jnp.int32)
    src, dst = edge_index[0], edge_index[1]
    # gconv1: GCN conv + ReLU + global mean pool -> (z1, g1)
    z1 = jax.nn.relu(_gcn_layer(x, src, dst, W1, b1))
    g1 = _pool_mean(z1, batch)
    # gconv2: GCN conv + global mean pool -> (z2, g2)
    z2 = _gcn_layer(z1, src, dst, W2, b2)
    g2 = _pool_mean(z2, batch)
    return (z2, g2)

if __name__ == "__main__":
    import jax
    _d = setup_inputs()
    print(jax.jit(kernel)(*tuple(_d.values())))

</pallas_src>

<mosaic_0001>
#map = affine_map<(d0, d1) -> (0, 0)>
#map1 = affine_map<(d0, d1) -> (0, 0, 0, 0)>
#map2 = affine_map<(d0, d1) -> (0, 0, 0)>
module attributes {stable_mosaic.version = 14 : i64} {
  func.func @_agg_kernel(%arg0: i32, %arg1: i32, %arg2: memref<10000x128xf32, #tpu.memory_space<hbm>>, %arg3: memref<32x5x25x80xi32, #tpu.memory_space<hbm>>, %arg4: memref<32x5x25x80xi32, #tpu.memory_space<hbm>>, %arg5: memref<640x128xf32, #tpu.memory_space<hbm>>, %arg6: memref<2x10240x128xf32, #tpu.memory_space<hbm>>, %arg7: memref<25x80xi32, #tpu.memory_space<vmem>>, %arg8: memref<25x80xi32, #tpu.memory_space<vmem>>, %arg9: memref<80x128xf32, #tpu.memory_space<vmem>>, %arg10: memref<80x128xf32, #tpu.memory_space<vmem>>, %arg11: memref<80x128xf32, #tpu.memory_space<vmem>>, %arg12: memref<10240x128xf32, #tpu.memory_space<vmem_shared>>, %arg13: memref<!tpu.dma_semaphore, #tpu.memory_space<semaphore_mem>>, %arg14: memref<!tpu.dma_semaphore, #tpu.memory_space<semaphore_mem>>, %arg15: memref<!tpu.dma_semaphore, #tpu.memory_space<semaphore_mem>>) attributes {dimension_semantics = [#tpu.dimension_semantics<core_parallel>, #tpu.dimension_semantics<subcore_parallel>], iteration_bounds = array<i64: 2, 16>, scalar_prefetch = 0 : i64, scratch_operands = 9 : i64, tpu.core_type = #tpu.core_type<sc_vector_subcore>, window_params = [{transform_indices = #map}, {transform_indices = #map1}, {transform_indices = #map1}, {transform_indices = #map}, {transform_indices = #map2}]} {
    %mul3A = arith.constant 2 : i32
    %mul3A_0 = arith.muli %arg1, %mul3A : i32
    %add3A = arith.addi %mul3A_0, %arg0 : i32
    %mul3A_1 = arith.constant 640 : i32
    %mul3A_2 = arith.muli %arg1, %mul3A_1 : i32
    "tpu.region"() ({
      %run_scoped3A = tpu.sem_alloc : memref<!tpu.dma_semaphore, #tpu.memory_space<semaphore_mem>>
      %dma_start3A = arith.constant 0 : i32
      %dma_start3A_13 = tpu.memref_slice %arg12[%mul3A_2, %dma_start3A] : memref<10240x128xf32, #tpu.memory_space<vmem_shared>> -> memref<640x128xf32, #tpu.memory_space<vmem_shared>>
      tpu.enqueue_dma source(%arg5 : memref<640x128xf32, #tpu.memory_space<hbm>>) target(%dma_start3A_13 : memref<640x128xf32, #tpu.memory_space<vmem_shared>>) target_semaphore(%run_scoped3A : memref<!tpu.dma_semaphore, #tpu.memory_space<semaphore_mem>>)
      %dma_wait3A = arith.constant 0 : i32
      %dma_wait3A_14 = tpu.memref_slice %arg12[%mul3A_2, %dma_wait3A] : memref<10240x128xf32, #tpu.memory_space<vmem_shared>> -> memref<640x128xf32, #tpu.memory_space<vmem_shared>>
      tpu.wait_dma2 semaphore(%run_scoped3A : memref<!tpu.dma_semaphore, #tpu.memory_space<semaphore_mem>>) src(%arg5 : memref<640x128xf32, #tpu.memory_space<hbm>>) dst(%dma_wait3A_14 : memref<640x128xf32, #tpu.memory_space<vmem_shared>>)
      tpu.yield
    }) : () -> ()
    %barrier3A = arith.constant 0 : index
    tpu.barrier barrier_id(%barrier3A)
    %scan3A = arith.constant 0 : i32
    %scan3A_3 = arith.constant 0 : i32
    %scan3A_4 = arith.constant 5 : i32
    %scan3A_5 = arith.addi %scan3A_3, %scan3A_4 : i32
    %scan3A_6 = arith.constant 1 : i32
    scf.for %scan3A_13 = %scan3A_3 to %scan3A_5 step %scan3A_6  : i32 {
      "tpu.region"() ({
        %run_scoped3A = tpu.sem_alloc : memref<!tpu.dma_semaphore, #tpu.memory_space<semaphore_mem>>
        %dma_start3A_40 = arith.constant 0 : i32
        %dma_start3A_41 = arith.constant 0 : i32
        %dma_start3A_42 = tpu.memref_slice %arg3[%add3A, %scan3A_13, %dma_start3A_40, %dma_start3A_41] : memref<32x5x25x80xi32, #tpu.memory_space<hbm>> -> memref<1x1x25x80xi32, #tpu.memory_space<hbm>>
        %dma_start3A_43 = tpu.memref_squeeze %dma_start3A_42 : memref<1x1x25x80xi32, #tpu.memory_space<hbm>> -> memref<25x80xi32, #tpu.memory_space<hbm>>
        %dma_start3A_44 = arith.constant 0 : i32
        %dma_start3A_45 = arith.constant 0 : i32
        %dma_start3A_46 = tpu.memref_slice %arg3[%add3A, %scan3A_13, %dma_start3A_44, %dma_start3A_45] : memref<32x5x25x80xi32, #tpu.memory_space<hbm>> -> memref<1x1x25x80xi32, #tpu.memory_space<hbm>>
        %dma_start3A_47 = tpu.memref_squeeze %dma_start3A_46 : memref<1x1x25x80xi32, #tpu.memory_space<hbm>> -> memref<25x80xi32, #tpu.memory_space<hbm>>
        tpu.enqueue_dma source(%dma_start3A_47 : memref<25x80xi32, #tpu.memory_space<hbm>>) target(%arg7 : memref<25x80xi32, #tpu.memory_space<vmem>>) target_semaphore(%run_scoped3A : memref<!tpu.dma_semaphore, #tpu.memory_space<semaphore_mem>>)
        %dma_wait3A = arith.constant 0 : i32
        %dma_wait3A_48 = arith.constant 0 : i32
        %dma_wait3A_49 = tpu.memref_slice %arg3[%add3A, %scan3A_13, %dma_wait3A, %dma_wait3A_48] : memref<32x5x25x80xi32, #tpu.memory_space<hbm>> -> memref<1x1x25x80xi32, #tpu.memory_space<hbm>>
        %dma_wait3A_50 = tpu.memref_squeeze %dma_wait3A_49 : memref<1x1x25x80xi32, #tpu.memory_space<hbm>> -> memref<25x80xi32, #tpu.memory_space<hbm>>
        %dma_wait3A_51 = arith.constant 0 : i32
        %dma_wait3A_52 = arith.constant 0 : i32
        %dma_wait3A_53 = tpu.memref_slice %arg3[%add3A, %scan3A_13, %dma_wait3A_51, %dma_wait3A_52] : memref<32x5x25x80xi32, #tpu.memory_space<hbm>> -> memref<1x1x25x80xi32, #tpu.memory_space<hbm>>
        %dma_wait3A_54 = tpu.memref_squeeze %dma_wait3A_53 : memref<1x1x25x80xi32, #tpu.memory_space<hbm>> -> memref<25x80xi32, #tpu.memory_space<hbm>>
        tpu.wait_dma2 semaphore(%run_scoped3A : memref<!tpu.dma_semaphore, #tpu.memory_space<semaphore_mem>>) src(%dma_wait3A_54 : memref<25x80xi32, #tpu.memory_space<hbm>>) dst(%arg7 : memref<25x80xi32, #tpu.memory_space<vmem>>)
        tpu.yield
      }) : () -> ()
      "tpu.region"() ({
        %run_scoped3A = tpu.sem_alloc : memref<!tpu.dma_semaphore, #tpu.memory_space<semaphore_mem>>
        %dma_start3A_40 = arith.constant 0 : i32
        %dma_start3A_41 = arith.constant 0 : i32
        %dma_start3A_42 = tpu.memref_slice %arg4[%add3A, %scan3A_13, %dma_start3A_40, %dma_start3A_41] : memref<32x5x25x80xi32, #tpu.memory_space<hbm>> -> memref<1x1x25x80xi32, #tpu.memory_space<hbm>>
        %dma_start3A_43 = tpu.memref_squeeze %dma_start3A_42 : memref<1x1x25x80xi32, #tpu.memory_space<hbm>> -> memref<25x80xi32, #tpu.memory_space<hbm>>
        %dma_start3A_44 = arith.constant 0 : i32
        %dma_start3A_45 = arith.constant 0 : i32
        %dma_start3A_46 = tpu.memref_slice %arg4[%add3A, %scan3A_13, %dma_start3A_44, %dma_start3A_45] : memref<32x5x25x80xi32, #tpu.memory_space<hbm>> -> memref<1x1x25x80xi32, #tpu.memory_space<hbm>>
        %dma_start3A_47 = tpu.memref_squeeze %dma_start3A_46 : memref<1x1x25x80xi32, #tpu.memory_space<hbm>> -> memref<25x80xi32, #tpu.memory_space<hbm>>
        tpu.enqueue_dma source(%dma_start3A_47 : memref<25x80xi32, #tpu.memory_space<hbm>>) target(%arg8 : memref<25x80xi32, #tpu.memory_space<vmem>>) target_semaphore(%run_scoped3A : memref<!tpu.dma_semaphore, #tpu.memory_space<semaphore_mem>>)
        %dma_wait3A = arith.constant 0 : i32
        %dma_wait3A_48 = arith.constant 0 : i32
        %dma_wait3A_49 = tpu.memref_slice %arg4[%add3A, %scan3A_13, %dma_wait3A, %dma_wait3A_48] : memref<32x5x25x80xi32, #tpu.memory_space<hbm>> -> memref<1x1x25x80xi32, #tpu.memory_space<hbm>>
        %dma_wait3A_50 = tpu.memref_squeeze %dma_wait3A_49 : memref<1x1x25x80xi32, #tpu.memory_space<hbm>> -> memref<25x80xi32, #tpu.memory_space<hbm>>
        %dma_wait3A_51 = arith.constant 0 : i32
        %dma_wait3A_52 = arith.constant 0 : i32
        %dma_wait3A_53 = tpu.memref_slice %arg4[%add3A, %scan3A_13, %dma_wait3A_51, %dma_wait3A_52] : memref<32x5x25x80xi32, #tpu.memory_space<hbm>> -> memref<1x1x25x80xi32, #tpu.memory_space<hbm>>
        %dma_wait3A_54 = tpu.memref_squeeze %dma_wait3A_53 : memref<1x1x25x80xi32, #tpu.memory_space<hbm>> -> memref<25x80xi32, #tpu.memory_space<hbm>>
        tpu.wait_dma2 semaphore(%run_scoped3A : memref<!tpu.dma_semaphore, #tpu.memory_space<semaphore_mem>>) src(%dma_wait3A_54 : memref<25x80xi32, #tpu.memory_space<hbm>>) dst(%arg8 : memref<25x80xi32, #tpu.memory_space<vmem>>)
        tpu.yield
      }) : () -> ()
      %dma_start3A = arith.constant 0 : i32
      %dma_start3A_14 = arith.constant 0 : i32
      %dma_start3A_15 = tpu.memref_slice %arg7[%dma_start3A, %dma_start3A_14] : memref<25x80xi32, #tpu.memory_space<vmem>> -> memref<1x80xi32, #tpu.memory_space<vmem>>
      %dma_start3A_16 = tpu.memref_squeeze %dma_start3A_15 : memref<1x80xi32, #tpu.memory_space<vmem>> -> memref<80xi32, #tpu.memory_space<vmem>>
      %dma_start3A_17 = arith.constant 0 : i32
      %dma_start3A_18 = arith.constant 0 : i32
      %dma_start3A_19 = tpu.memref_slice %arg2[%dma_start3A_17, %dma_start3A_18] : memref<10000x128xf32, #tpu.memory_space<hbm>> -> memref<10000x128xf32, #tpu.memory_space<hbm>>
      tpu.enqueue_indirect_dma source(%dma_start3A_19 : memref<10000x128xf32, #tpu.memory_space<hbm>>) target(%arg9 : memref<80x128xf32, #tpu.memory_space<vmem>>) offsets(%dma_start3A_16 : memref<80xi32, #tpu.memory_space<vmem>>) semaphore(%arg13 : memref<!tpu.dma_semaphore, #tpu.memory_space<semaphore_mem>>)
      %dma_start3A_20 = arith.constant 1 : i32
      %dma_start3A_21 = arith.constant 0 : i32
      %dma_start3A_22 = tpu.memref_slice %arg7[%dma_start3A_20, %dma_start3A_21] : memref<25x80xi32, #tpu.memory_space<vmem>> -> memref<1x80xi32, #tpu.memory_space<vmem>>
      %dma_start3A_23 = tpu.memref_squeeze %dma_start3A_22 : memref<1x80xi32, #tpu.memory_space<vmem>> -> memref<80xi32, #tpu.memory_space<vmem>>
      %dma_start3A_24 = arith.constant 0 : i32
      %dma_start3A_25 = arith.constant 0 : i32
      %dma_start3A_26 = tpu.memref_slice %arg2[%dma_start3A_24, %dma_start3A_25] : memref<10000x128xf32, #tpu.memory_space<hbm>> -> memref<10000x128xf32, #tpu.memory_space<hbm>>
      tpu.enqueue_indirect_dma source(%dma_start3A_26 : memref<10000x128xf32, #tpu.memory_space<hbm>>) target(%arg10 : memref<80x128xf32, #tpu.memory_space<vmem>>) offsets(%dma_start3A_23 : memref<80xi32, #tpu.memory_space<vmem>>) semaphore(%arg14 : memref<!tpu.dma_semaphore, #tpu.memory_space<semaphore_mem>>)
      %dma_start3A_27 = arith.constant 2 : i32
      %dma_start3A_28 = arith.constant 0 : i32
      %dma_start3A_29 = tpu.memref_slice %arg7[%dma_start3A_27, %dma_start3A_28] : memref<25x80xi32, #tpu.memory_space<vmem>> -> memref<1x80xi32, #tpu.memory_space<vmem>>
      %dma_start3A_30 = tpu.memref_squeeze %dma_start3A_29 : memref<1x80xi32, #tpu.memory_space<vmem>> -> memref<80xi32, #tpu.memory_space<vmem>>
      %dma_start3A_31 = arith.constant 0 : i32
      %dma_start3A_32 = arith.constant 0 : i32
      %dma_start3A_33 = tpu.memref_slice %arg2[%dma_start3A_31, %dma_start3A_32] : memref<10000x128xf32, #tpu.memory_space<hbm>> -> memref<10000x128xf32, #tpu.memory_space<hbm>>
      tpu.enqueue_indirect_dma source(%dma_start3A_33 : memref<10000x128xf32, #tpu.memory_space<hbm>>) target(%arg11 : memref<80x128xf32, #tpu.memory_space<vmem>>) offsets(%dma_start3A_30 : memref<80xi32, #tpu.memory_space<vmem>>) semaphore(%arg15 : memref<!tpu.dma_semaphore, #tpu.memory_space<semaphore_mem>>)
      %scan3A_34 = arith.constant 0 : i32
      %scan3A_35 = arith.constant 0 : i32
      %scan3A_36 = arith.constant 25 : i32
      %scan3A_37 = arith.addi %scan3A_35, %scan3A_36 : i32
      %scan3A_38 = arith.constant 1 : i32
      scf.for %scan3A_40 = %scan3A_35 to %scan3A_37 step %scan3A_38  : i32 {
        %jit3A = arith.constant 3 : i32
        %eq3A = arith.constant 0 : i32
        %eq3A_41 = arith.cmpi eq, %jit3A, %eq3A : i32
        %jit3A_42 = arith.constant 1 : i32
        %select_n3A = arith.select %eq3A_41, %jit3A_42, %jit3A : i32
        %rem3A = arith.remsi %scan3A_40, %select_n3A : i32
        %ne3A = arith.constant 0 : i32
        %ne3A_43 = arith.cmpi ne, %rem3A, %ne3A : i32
        %lt3A = arith.constant 0 : i32
        %lt3A_44 = arith.cmpi slt, %rem3A, %lt3A : i32
        %lt3A_45 = arith.constant 0 : i32
        %lt3A_46 = arith.cmpi slt, %select_n3A, %lt3A_45 : i32
        %ne3A_47 = arith.xori %lt3A_44, %lt3A_46 : i1
        %and3A = arith.andi %ne3A_47, %ne3A_43 : i1
        %add3A_48 = arith.addi %rem3A, %select_n3A : i32
        %select_n3A_49 = arith.select %and3A, %add3A_48, %rem3A : i32
        %eq3A_50 = arith.constant 0 : i32
        %eq3A_51 = arith.cmpi eq, %select_n3A_49, %eq3A_50 : i32
        %convert_element_type3A = arith.extui %eq3A_51 : i1 to i32
        %cond3A = arith.constant 0 : i32
        %cond3A_52 = arith.cmpi ne, %convert_element_type3A, %cond3A : i32
        scf.if %cond3A_52 {
          %dma_wait3A = arith.constant 0 : i32
          %dma_wait3A_95 = tpu.memref_slice %arg7[%scan3A_40, %dma_wait3A] : memref<25x80xi32, #tpu.memory_space<vmem>> -> memref<1x80xi32, #tpu.memory_space<vmem>>
          %dma_wait3A_96 = tpu.memref_squeeze %dma_wait3A_95 : memref<1x80xi32, #tpu.memory_space<vmem>> -> memref<80xi32, #tpu.memory_space<vmem>>
          %dma_wait3A_97 = arith.constant 0 : i32
          %dma_wait3A_98 = arith.constant 0 : i32
          %dma_wait3A_99 = tpu.memref_slice %arg2[%dma_wait3A_97, %dma_wait3A_98] : memref<10000x128xf32, #tpu.memory_space<hbm>> -> memref<10000x128xf32, #tpu.memory_space<hbm>>
          tpu.wait_indirect_dma semaphore(%arg13 : memref<!tpu.dma_semaphore, #tpu.memory_space<semaphore_mem>>) src(%dma_wait3A_99 : memref<10000x128xf32, #tpu.memory_space<hbm>>) dst(%arg9 : memref<80x128xf32, #tpu.memory_space<vmem>>)
          "tpu.region"() ({
            %run_scoped3A = tpu.sem_alloc : memref<!tpu.dma_semaphore, #tpu.memory_space<semaphore_mem>>
            %dma_start3A_107 = arith.constant 0 : i32
            %dma_start3A_108 = tpu.memref_slice %arg8[%scan3A_40, %dma_start3A_107] : memref<25x80xi32, #tpu.memory_space<vmem>> -> memref<1x80xi32, #tpu.memory_space<vmem>>
            %dma_start3A_109 = tpu.memref_squeeze %dma_start3A_108 : memref<1x80xi32, #tpu.memory_space<vmem>> -> memref<80xi32, #tpu.memory_space<vmem>>
            %dma_start3A_110 = arith.constant 0 : i32
            %dma_start3A_111 = arith.constant 0 : i32
            %dma_start3A_112 = tpu.memref_slice %arg12[%dma_start3A_110, %dma_start3A_111] : memref<10240x128xf32, #tpu.memory_space<vmem_shared>> -> memref<10240x128xf32, #tpu.memory_space<vmem_shared>>
            tpu.enqueue_indirect_dma source(%arg9 : memref<80x128xf32, #tpu.memory_space<vmem>>) target(%dma_start3A_112 : memref<10240x128xf32, #tpu.memory_space<vmem_shared>>) offsets(%dma_start3A_109 : memref<80xi32, #tpu.memory_space<vmem>>) semaphore(%run_scoped3A : memref<!tpu.dma_semaphore, #tpu.memory_space<semaphore_mem>>) {add = true}
            %dma_wait3A_113 = arith.constant 0 : i32
            %dma_wait3A_114 = tpu.memref_slice %arg8[%scan3A_40, %dma_wait3A_113] : memref<25x80xi32, #tpu.memory_space<vmem>> -> memref<1x80xi32, #tpu.memory_space<vmem>>
            %dma_wait3A_115 = tpu.memref_squeeze %dma_wait3A_114 : memref<1x80xi32, #tpu.memory_space<vmem>> -> memref<80xi32, #tpu.memory_space<vmem>>
            %dma_wait3A_116 = arith.constant 0 : i32
            %dma_wait3A_117 = arith.constant 0 : i32
            %dma_wait3A_118 = tpu.memref_slice %arg12[%dma_wait3A_116, %dma_wait3A_117] : memref<10240x128xf32, #tpu.memory_space<vmem_shared>> -> memref<10240x128xf32, #tpu.memory_space<vmem_shared>>
            tpu.wait_indirect_dma semaphore(%run_scoped3A : memref<!tpu.dma_semaphore, #tpu.memory_space<semaphore_mem>>) src(%arg9 : memref<80x128xf32, #tpu.memory_space<vmem>>) dst(%dma_wait3A_118 : memref<10240x128xf32, #tpu.memory_space<vmem_shared>>)
            tpu.yield
          }) : () -> ()
          %add3A_100 = arith.constant 3 : i32
          %add3A_101 = arith.addi %scan3A_40, %add3A_100 : i32
          %lt3A_102 = arith.constant 25 : i32
          %lt3A_103 = arith.cmpi slt, %add3A_101, %lt3A_102 : i32
          %convert_element_type3A_104 = arith.extui %lt3A_103 : i1 to i32
          %cond3A_105 = arith.constant 0 : i32
          %cond3A_106 = arith.cmpi ne, %convert_element_type3A_104, %cond3A_105 : i32
          scf.if %cond3A_106 {
            %add3A_107 = arith.constant 3 : i32
            %add3A_108 = arith.addi %scan3A_40, %add3A_107 : i32
            %dma_start3A_109 = arith.constant 0 : i32
            %dma_start3A_110 = tpu.memref_slice %arg7[%add3A_108, %dma_start3A_109] : memref<25x80xi32, #tpu.memory_space<vmem>> -> memref<1x80xi32, #tpu.memory_space<vmem>>
            %dma_start3A_111 = tpu.memref_squeeze %dma_start3A_110 : memref<1x80xi32, #tpu.memory_space<vmem>> -> memref<80xi32, #tpu.memory_space<vmem>>
            %dma_start3A_112 = arith.constant 0 : i32
            %dma_start3A_113 = arith.constant 0 : i32
            %dma_start3A_114 = tpu.memref_slice %arg2[%dma_start3A_112, %dma_start3A_113] : memref<10000x128xf32, #tpu.memory_space<hbm>> -> memref<10000x128xf32, #tpu.memory_space<hbm>>
            tpu.enqueue_indirect_dma source(%dma_start3A_114 : memref<10000x128xf32, #tpu.memory_space<hbm>>) target(%arg9 : memref<80x128xf32, #tpu.memory_space<vmem>>) offsets(%dma_start3A_111 : memref<80xi32, #tpu.memory_space<vmem>>) semaphore(%arg13 : memref<!tpu.dma_semaphore, #tpu.memory_space<semaphore_mem>>)
          } else {
          }
        } else {
        }
        %jit3A_53 = arith.constant 3 : i32
        %eq3A_54 = arith.constant 0 : i32
        %eq3A_55 = arith.cmpi eq, %jit3A_53, %eq3A_54 : i32
        %jit3A_56 = arith.constant 1 : i32
        %select_n3A_57 = arith.select %eq3A_55, %jit3A_56, %jit3A_53 : i32
        %rem3A_58 = arith.remsi %scan3A_40, %select_n3A_57 : i32
        %ne3A_59 = arith.constant 0 : i32
        %ne3A_60 = arith.cmpi ne, %rem3A_58, %ne3A_59 : i32
        %lt3A_61 = arith.constant 0 : i32
        %lt3A_62 = arith.cmpi slt, %rem3A_58, %lt3A_61 : i32
        %lt3A_63 = arith.constant 0 : i32
        %lt3A_64 = arith.cmpi slt, %select_n3A_57, %lt3A_63 : i32
        %ne3A_65 = arith.xori %lt3A_62, %lt3A_64 : i1
        %and3A_66 = arith.andi %ne3A_65, %ne3A_60 : i1
        %add3A_67 = arith.addi %rem3A_58, %select_n3A_57 : i32
        %select_n3A_68 = arith.select %and3A_66, %add3A_67, %rem3A_58 : i32
        %eq3A_69 = arith.constant 1 : i32
        %eq3A_70 = arith.cmpi eq, %select_n3A_68, %eq3A_69 : i32
        %convert_element_type3A_71 = arith.extui %eq3A_70 : i1 to i32
        %cond3A_72 = arith.constant 0 : i32
        %cond3A_73 = arith.cmpi ne, %convert_element_type3A_71, %cond3A_72 : i32
        scf.if %cond3A_73 {
          %dma_wait3A = arith.constant 0 : i32
          %dma_wait3A_95 = tpu.memref_slice %arg7[%scan3A_40, %dma_wait3A] : memref<25x80xi32, #tpu.memory_space<vmem>> -> memref<1x80xi32, #tpu.memory_space<vmem>>
          %dma_wait3A_96 = tpu.memref_squeeze %dma_wait3A_95 : memref<1x80xi32, #tpu.memory_space<vmem>> -> memref<80xi32, #tpu.memory_space<vmem>>
          %dma_wait3A_97 = arith.constant 0 : i32
          %dma_wait3A_98 = arith.constant 0 : i32
          %dma_wait3A_99 = tpu.memref_slice %arg2[%dma_wait3A_97, %dma_wait3A_98] : memref<10000x128xf32, #tpu.memory_space<hbm>> -> memref<10000x128xf32, #tpu.memory_space<hbm>>
          tpu.wait_indirect_dma semaphore(%arg14 : memref<!tpu.dma_semaphore, #tpu.memory_space<semaphore_mem>>) src(%dma_wait3A_99 : memref<10000x128xf32, #tpu.memory_space<hbm>>) dst(%arg10 : memref<80x128xf32, #tpu.memory_space<vmem>>)
          "tpu.region"() ({
            %run_scoped3A = tpu.sem_alloc : memref<!tpu.dma_semaphore, #tpu.memory_space<semaphore_mem>>
            %dma_start3A_107 = arith.constant 0 : i32
            %dma_start3A_108 = tpu.memref_slice %arg8[%scan3A_40, %dma_start3A_107] : memref<25x80xi32, #tpu.memory_space<vmem>> -> memref<1x80xi32, #tpu.memory_space<vmem>>
            %dma_start3A_109 = tpu.memref_squeeze %dma_start3A_108 : memref<1x80xi32, #tpu.memory_space<vmem>> -> memref<80xi32, #tpu.memory_space<vmem>>
            %dma_start3A_110 = arith.constant 0 : i32
            %dma_start3A_111 = arith.constant 0 : i32
            %dma_start3A_112 = tpu.memref_slice %arg12[%dma_start3A_110, %dma_start3A_111] : memref<10240x128xf32, #tpu.memory_space<vmem_shared>> -> memref<10240x128xf32, #tpu.memory_space<vmem_shared>>
            tpu.enqueue_indirect_dma source(%arg10 : memref<80x128xf32, #tpu.memory_space<vmem>>) target(%dma_start3A_112 : memref<10240x128xf32, #tpu.memory_space<vmem_shared>>) offsets(%dma_start3A_109 : memref<80xi32, #tpu.memory_space<vmem>>) semaphore(%run_scoped3A : memref<!tpu.dma_semaphore, #tpu.memory_space<semaphore_mem>>) {add = true}
            %dma_wait3A_113 = arith.constant 0 : i32
            %dma_wait3A_114 = tpu.memref_slice %arg8[%scan3A_40, %dma_wait3A_113] : memref<25x80xi32, #tpu.memory_space<vmem>> -> memref<1x80xi32, #tpu.memory_space<vmem>>
            %dma_wait3A_115 = tpu.memref_squeeze %dma_wait3A_114 : memref<1x80xi32, #tpu.memory_space<vmem>> -> memref<80xi32, #tpu.memory_space<vmem>>
            %dma_wait3A_116 = arith.constant 0 : i32
            %dma_wait3A_117 = arith.constant 0 : i32
            %dma_wait3A_118 = tpu.memref_slice %arg12[%dma_wait3A_116, %dma_wait3A_117] : memref<10240x128xf32, #tpu.memory_space<vmem_shared>> -> memref<10240x128xf32, #tpu.memory_space<vmem_shared>>
            tpu.wait_indirect_dma semaphore(%run_scoped3A : memref<!tpu.dma_semaphore, #tpu.memory_space<semaphore_mem>>) src(%arg10 : memref<80x128xf32, #tpu.memory_space<vmem>>) dst(%dma_wait3A_118 : memref<10240x128xf32, #tpu.memory_space<vmem_shared>>)
            tpu.yield
          }) : () -> ()
          %add3A_100 = arith.constant 3 : i32
          %add3A_101 = arith.addi %scan3A_40, %add3A_100 : i32
          %lt3A_102 = arith.constant 25 : i32
          %lt3A_103 = arith.cmpi slt, %add3A_101, %lt3A_102 : i32
          %convert_element_type3A_104 = arith.extui %lt3A_103 : i1 to i32
          %cond3A_105 = arith.constant 0 : i32
          %cond3A_106 = arith.cmpi ne, %convert_element_type3A_104, %cond3A_105 : i32
          scf.if %cond3A_106 {
            %add3A_107 = arith.constant 3 : i32
            %add3A_108 = arith.addi %scan3A_40, %add3A_107 : i32
            %dma_start3A_109 = arith.constant 0 : i32
            %dma_start3A_110 = tpu.memref_slice %arg7[%add3A_108, %dma_start3A_109] : memref<25x80xi32, #tpu.memory_space<vmem>> -> memref<1x80xi32, #tpu.memory_space<vmem>>
            %dma_start3A_111 = tpu.memref_squeeze %dma_start3A_110 : memref<1x80xi32, #tpu.memory_space<vmem>> -> memref<80xi32, #tpu.memory_space<vmem>>
            %dma_start3A_112 = arith.constant 0 : i32
            %dma_start3A_113 = arith.constant 0 : i32
            %dma_start3A_114 = tpu.memref_slice %arg2[%dma_start3A_112, %dma_start3A_113] : memref<10000x128xf32, #tpu.memory_space<hbm>> -> memref<10000x128xf32, #tpu.memory_space<hbm>>
            tpu.enqueue_indirect_dma source(%dma_start3A_114 : memref<10000x128xf32, #tpu.memory_space<hbm>>) target(%arg10 : memref<80x128xf32, #tpu.memory_space<vmem>>) offsets(%dma_start3A_111 : memref<80xi32, #tpu.memory_space<vmem>>) semaphore(%arg14 : memref<!tpu.dma_semaphore, #tpu.memory_space<semaphore_mem>>)
          } else {
          }
        } else {
        }
        %jit3A_74 = arith.constant 3 : i32
        %eq3A_75 = arith.constant 0 : i32
        %eq3A_76 = arith.cmpi eq, %jit3A_74, %eq3A_75 : i32
        %jit3A_77 = arith.constant 1 : i32
        %select_n3A_78 = arith.select %eq3A_76, %jit3A_77, %jit3A_74 : i32
        %rem3A_79 = arith.remsi %scan3A_40, %select_n3A_78 : i32
        %ne3A_80 = arith.constant 0 : i32
        %ne3A_81 = arith.cmpi ne, %rem3A_79, %ne3A_80 : i32
        %lt3A_82 = arith.constant 0 : i32
        %lt3A_83 = arith.cmpi slt, %rem3A_79, %lt3A_82 : i32
        %lt3A_84 = arith.constant 0 : i32
        %lt3A_85 = arith.cmpi slt, %select_n3A_78, %lt3A_84 : i32
        %ne3A_86 = arith.xori %lt3A_83, %lt3A_85 : i1
        %and3A_87 = arith.andi %ne3A_86, %ne3A_81 : i1
        %add3A_88 = arith.addi %rem3A_79, %select_n3A_78 : i32
        %select_n3A_89 = arith.select %and3A_87, %add3A_88, %rem3A_79 : i32
        %eq3A_90 = arith.constant 2 : i32
        %eq3A_91 = arith.cmpi eq, %select_n3A_89, %eq3A_90 : i32
        %convert_element_type3A_92 = arith.extui %eq3A_91 : i1 to i32
        %cond3A_93 = arith.constant 0 : i32
        %cond3A_94 = arith.cmpi ne, %convert_element_type3A_92, %cond3A_93 : i32
        scf.if %cond3A_94 {
          %dma_wait3A = arith.constant 0 : i32
          %dma_wait3A_95 = tpu.memref_slice %arg7[%scan3A_40, %dma_wait3A] : memref<25x80xi32, #tpu.memory_space<vmem>> -> memref<1x80xi32, #tpu.memory_space<vmem>>
          %dma_wait3A_96 = tpu.memref_squeeze %dma_wait3A_95 : memref<1x80xi32, #tpu.memory_space<vmem>> -> memref<80xi32, #tpu.memory_space<vmem>>
          %dma_wait3A_97 = arith.constant 0 : i32
          %dma_wait3A_98 = arith.constant 0 : i32
          %dma_wait3A_99 = tpu.memref_slice %arg2[%dma_wait3A_97, %dma_wait3A_98] : memref<10000x128xf32, #tpu.memory_space<hbm>> -> memref<10000x128xf32, #tpu.memory_space<hbm>>
          tpu.wait_indirect_dma semaphore(%arg15 : memref<!tpu.dma_semaphore, #tpu.memory_space<semaphore_mem>>) src(%dma_wait3A_99 : memref<10000x128xf32, #tpu.memory_space<hbm>>) dst(%arg11 : memref<80x128xf32, #tpu.memory_space<vmem>>)
          "tpu.region"() ({
            %run_scoped3A = tpu.sem_alloc : memref<!tpu.dma_semaphore, #tpu.memory_space<semaphore_mem>>
            %dma_start3A_107 = arith.constant 0 : i32
            %dma_start3A_108 = tpu.memref_slice %arg8[%scan3A_40, %dma_start3A_107] : memref<25x80xi32, #tpu.memory_space<vmem>> -> memref<1x80xi32, #tpu.memory_space<vmem>>
            %dma_start3A_109 = tpu.memref_squeeze %dma_start3A_108 : memref<1x80xi32, #tpu.memory_space<vmem>> -> memref<80xi32, #tpu.memory_space<vmem>>
            %dma_start3A_110 = arith.constant 0 : i32
            %dma_start3A_111 = arith.constant 0 : i32
            %dma_start3A_112 = tpu.memref_slice %arg12[%dma_start3A_110, %dma_start3A_111] : memref<10240x128xf32, #tpu.memory_space<vmem_shared>> -> memref<10240x128xf32, #tpu.memory_space<vmem_shared>>
            tpu.enqueue_indirect_dma source(%arg11 : memref<80x128xf32, #tpu.memory_space<vmem>>) target(%dma_start3A_112 : memref<10240x128xf32, #tpu.memory_space<vmem_shared>>) offsets(%dma_start3A_109 : memref<80xi32, #tpu.memory_space<vmem>>) semaphore(%run_scoped3A : memref<!tpu.dma_semaphore, #tpu.memory_space<semaphore_mem>>) {add = true}
            %dma_wait3A_113 = arith.constant 0 : i32
            %dma_wait3A_114 = tpu.memref_slice %arg8[%scan3A_40, %dma_wait3A_113] : memref<25x80xi32, #tpu.memory_space<vmem>> -> memref<1x80xi32, #tpu.memory_space<vmem>>
            %dma_wait3A_115 = tpu.memref_squeeze %dma_wait3A_114 : memref<1x80xi32, #tpu.memory_space<vmem>> -> memref<80xi32, #tpu.memory_space<vmem>>
            %dma_wait3A_116 = arith.constant 0 : i32
            %dma_wait3A_117 = arith.constant 0 : i32
            %dma_wait3A_118 = tpu.memref_slice %arg12[%dma_wait3A_116, %dma_wait3A_117] : memref<10240x128xf32, #tpu.memory_space<vmem_shared>> -> memref<10240x128xf32, #tpu.memory_space<vmem_shared>>
            tpu.wait_indirect_dma semaphore(%run_scoped3A : memref<!tpu.dma_semaphore, #tpu.memory_space<semaphore_mem>>) src(%arg11 : memref<80x128xf32, #tpu.memory_space<vmem>>) dst(%dma_wait3A_118 : memref<10240x128xf32, #tpu.memory_space<vmem_shared>>)
            tpu.yield
          }) : () -> ()
          %add3A_100 = arith.constant 3 : i32
          %add3A_101 = arith.addi %scan3A_40, %add3A_100 : i32
          %lt3A_102 = arith.constant 25 : i32
          %lt3A_103 = arith.cmpi slt, %add3A_101, %lt3A_102 : i32
          %convert_element_type3A_104 = arith.extui %lt3A_103 : i1 to i32
          %cond3A_105 = arith.constant 0 : i32
          %cond3A_106 = arith.cmpi ne, %convert_element_type3A_104, %cond3A_105 : i32
          scf.if %cond3A_106 {
            %add3A_107 = arith.constant 3 : i32
            %add3A_108 = arith.addi %scan3A_40, %add3A_107 : i32
            %dma_start3A_109 = arith.constant 0 : i32
            %dma_start3A_110 = tpu.memref_slice %arg7[%add3A_108, %dma_start3A_109] : memref<25x80xi32, #tpu.memory_space<vmem>> -> memref<1x80xi32, #tpu.memory_space<vmem>>
            %dma_start3A_111 = tpu.memref_squeeze %dma_start3A_110 : memref<1x80xi32, #tpu.memory_space<vmem>> -> memref<80xi32, #tpu.memory_space<vmem>>
            %dma_start3A_112 = arith.constant 0 : i32
            %dma_start3A_113 = arith.constant 0 : i32
            %dma_start3A_114 = tpu.memref_slice %arg2[%dma_start3A_112, %dma_start3A_113] : memref<10000x128xf32, #tpu.memory_space<hbm>> -> memref<10000x128xf32, #tpu.memory_space<hbm>>
            tpu.enqueue_indirect_dma source(%dma_start3A_114 : memref<10000x128xf32, #tpu.memory_space<hbm>>) target(%arg11 : memref<80x128xf32, #tpu.memory_space<vmem>>) offsets(%dma_start3A_111 : memref<80xi32, #tpu.memory_space<vmem>>) semaphore(%arg15 : memref<!tpu.dma_semaphore, #tpu.memory_space<semaphore_mem>>)
          } else {
          }
        } else {
        }
      }
      %scan3A_39 = arith.constant 25 : i32
    }
    %scan3A_7 = arith.constant 5 : i32
    %barrier3A_8 = arith.constant 0 : index
    tpu.barrier barrier_id(%barrier3A_8)
    %mul3A_9 = arith.constant 640 : i32
    %mul3A_10 = arith.muli %arg1, %mul3A_9 : i32
    %mul3A_11 = arith.constant 640 : i32
    %mul3A_12 = arith.muli %arg1, %mul3A_11 : i32
    "tpu.region"() ({
      %run_scoped3A = tpu.sem_alloc : memref<!tpu.dma_semaphore, #tpu.memory_space<semaphore_mem>>
      %dma_start3A = arith.constant 0 : i32
      %dma_start3A_13 = tpu.memref_slice %arg6[%arg0, %mul3A_12, %dma_start3A] : memref<2x10240x128xf32, #tpu.memory_space<hbm>> -> memref<1x640x128xf32, #tpu.memory_space<hbm>>
      %dma_start3A_14 = tpu.memref_squeeze %dma_start3A_13 : memref<1x640x128xf32, #tpu.memory_space<hbm>> -> memref<640x128xf32, #tpu.memory_space<hbm>>
      %dma_start3A_15 = arith.constant 0 : i32
      %dma_start3A_16 = tpu.memref_slice %arg12[%mul3A_10, %dma_start3A_15] : memref<10240x128xf32, #tpu.memory_space<vmem_shared>> -> memref<640x128xf32, #tpu.memory_space<vmem_shared>>
      tpu.enqueue_dma source(%dma_start3A_16 : memref<640x128xf32, #tpu.memory_space<vmem_shared>>) target(%dma_start3A_14 : memref<640x128xf32, #tpu.memory_space<hbm>>) target_semaphore(%run_scoped3A : memref<!tpu.dma_semaphore, #tpu.memory_space<semaphore_mem>>)
      %dma_wait3A = arith.constant 0 : i32
      %dma_wait3A_17 = tpu.memref_slice %arg6[%arg0, %mul3A_12, %dma_wait3A] : memref<2x10240x128xf32, #tpu.memory_space<hbm>> -> memref<1x640x128xf32, #tpu.memory_space<hbm>>
      %dma_wait3A_18 = tpu.memref_squeeze %dma_wait3A_17 : memref<1x640x128xf32, #tpu.memory_space<hbm>> -> memref<640x128xf32, #tpu.memory_space<hbm>>
      %dma_wait3A_19 = arith.constant 0 : i32
      %dma_wait3A_20 = tpu.memref_slice %arg12[%mul3A_10, %dma_wait3A_19] : memref<10240x128xf32, #tpu.memory_space<vmem_shared>> -> memref<640x128xf32, #tpu.memory_space<vmem_shared>>
      tpu.wait_dma2 semaphore(%run_scoped3A : memref<!tpu.dma_semaphore, #tpu.memory_space<semaphore_mem>>) src(%dma_wait3A_20 : memref<640x128xf32, #tpu.memory_space<vmem_shared>>) dst(%dma_wait3A_18 : memref<640x128xf32, #tpu.memory_space<hbm>>)
      tpu.yield
    }) : () -> ()
    return
  }
}

#map = affine_map<(d0, d1) -> (0, 0, 0)>
#map1 = affine_map<(d0, d1) -> (0, 0)>
module attributes {stable_mosaic.version = 14 : i64} {
  func.func @_deg_kernel(%arg0: i32, %arg1: i32, %arg2: memref<32x125x80xi32, #tpu.memory_space<hbm>>, %arg3: memref<80x16xf32, #tpu.memory_space<hbm>>, %arg4: memref<640x16xf32, #tpu.memory_space<hbm>>, %arg5: memref<2x10240x16xf32, #tpu.memory_space<hbm>>, %arg6: memref<125x80xi32, #tpu.memory_space<vmem>>, %arg7: memref<80x16xf32, #tpu.memory_space<vmem>>, %arg8: memref<10240x16xf32, #tpu.memory_space<vmem_shared>>) attributes {dimension_semantics = [#tpu.dimension_semantics<core_parallel>, #tpu.dimension_semantics<subcore_parallel>], iteration_bounds = array<i64: 2, 16>, scalar_prefetch = 0 : i64, scratch_operands = 3 : i64, tpu.core_type = #tpu.core_type<sc_vector_subcore>, window_params = [{transform_indices = #map}, {transform_indices = #map1}, {transform_indices = #map1}, {transform_indices = #map}]} {
    %mul3A = arith.constant 2 : i32
    %mul3A_0 = arith.muli %arg1, %mul3A : i32
    %add3A = arith.addi %mul3A_0, %arg0 : i32
    "tpu.region"() ({
      %run_scoped3A = tpu.sem_alloc : memref<!tpu.dma_semaphore, #tpu.memory_space<semaphore_mem>>
      %dma_start3A = arith.constant 0 : i32
      %dma_start3A_13 = arith.constant 0 : i32
      %dma_start3A_14 = tpu.memref_slice %arg2[%add3A, %dma_start3A, %dma_start3A_13] : memref<32x125x80xi32, #tpu.memory_space<hbm>> -> memref<1x125x80xi32, #tpu.memory_space<hbm>>
      %dma_start3A_15 = tpu.memref_squeeze %dma_start3A_14 : memref<1x125x80xi32, #tpu.memory_space<hbm>> -> memref<125x80xi32, #tpu.memory_space<hbm>>
      %dma_start3A_16 = arith.constant 0 : i32
      %dma_start3A_17 = arith.constant 0 : i32
      %dma_start3A_18 = tpu.memref_slice %arg2[%add3A, %dma_start3A_16, %dma_start3A_17] : memref<32x125x80xi32, #tpu.memory_space<hbm>> -> memref<1x125x80xi32, #tpu.memory_space<hbm>>
      %dma_start3A_19 = tpu.memref_squeeze %dma_start3A_18 : memref<1x125x80xi32, #tpu.memory_space<hbm>> -> memref<125x80xi32, #tpu.memory_space<hbm>>
      tpu.enqueue_dma source(%dma_start3A_19 : memref<125x80xi32, #tpu.memory_space<hbm>>) target(%arg6 : memref<125x80xi32, #tpu.memory_space<vmem>>) target_semaphore(%run_scoped3A : memref<!tpu.dma_semaphore, #tpu.memory_space<semaphore_mem>>)
      %dma_wait3A = arith.constant 0 : i32
      %dma_wait3A_20 = arith.constant 0 : i32
      %dma_wait3A_21 = tpu.memref_slice %arg2[%add3A, %dma_wait3A, %dma_wait3A_20] : memref<32x125x80xi32, #tpu.memory_space<hbm>> -> memref<1x125x80xi32, #tpu.memory_space<hbm>>
      %dma_wait3A_22 = tpu.memref_squeeze %dma_wait3A_21 : memref<1x125x80xi32, #tpu.memory_space<hbm>> -> memref<125x80xi32, #tpu.memory_space<hbm>>
      %dma_wait3A_23 = arith.constant 0 : i32
      %dma_wait3A_24 = arith.constant 0 : i32
      %dma_wait3A_25 = tpu.memref_slice %arg2[%add3A, %dma_wait3A_23, %dma_wait3A_24] : memref<32x125x80xi32, #tpu.memory_space<hbm>> -> memref<1x125x80xi32, #tpu.memory_space<hbm>>
      %dma_wait3A_26 = tpu.memref_squeeze %dma_wait3A_25 : memref<1x125x80xi32, #tpu.memory_space<hbm>> -> memref<125x80xi32, #tpu.memory_space<hbm>>
      tpu.wait_dma2 semaphore(%run_scoped3A : memref<!tpu.dma_semaphore, #tpu.memory_space<semaphore_mem>>) src(%dma_wait3A_26 : memref<125x80xi32, #tpu.memory_space<hbm>>) dst(%arg6 : memref<125x80xi32, #tpu.memory_space<vmem>>)
      tpu.yield
    }) : () -> ()
    "tpu.region"() ({
      %run_scoped3A = tpu.sem_alloc : memref<!tpu.dma_semaphore, #tpu.memory_space<semaphore_mem>>
      tpu.enqueue_dma source(%arg3 : memref<80x16xf32, #tpu.memory_space<hbm>>) target(%arg7 : memref<80x16xf32, #tpu.memory_space<vmem>>) target_semaphore(%run_scoped3A : memref<!tpu.dma_semaphore, #tpu.memory_space<semaphore_mem>>)
      tpu.wait_dma2 semaphore(%run_scoped3A : memref<!tpu.dma_semaphore, #tpu.memory_space<semaphore_mem>>) src(%arg3 : memref<80x16xf32, #tpu.memory_space<hbm>>) dst(%arg7 : memref<80x16xf32, #tpu.memory_space<vmem>>)
      tpu.yield
    }) : () -> ()
    %mul3A_1 = arith.constant 640 : i32
    %mul3A_2 = arith.muli %arg1, %mul3A_1 : i32
    "tpu.region"() ({
      %run_scoped3A = tpu.sem_alloc : memref<!tpu.dma_semaphore, #tpu.memory_space<semaphore_mem>>
      %dma_start3A = arith.constant 0 : i32
      %dma_start3A_13 = tpu.memref_slice %arg8[%mul3A_2, %dma_start3A] : memref<10240x16xf32, #tpu.memory_space<vmem_shared>> -> memref<640x16xf32, #tpu.memory_space<vmem_shared>>
      tpu.enqueue_dma source(%arg4 : memref<640x16xf32, #tpu.memory_space<hbm>>) target(%dma_start3A_13 : memref<640x16xf32, #tpu.memory_space<vmem_shared>>) target_semaphore(%run_scoped3A : memref<!tpu.dma_semaphore, #tpu.memory_space<semaphore_mem>>)
      %dma_wait3A = arith.constant 0 : i32
      %dma_wait3A_14 = tpu.memref_slice %arg8[%mul3A_2, %dma_wait3A] : memref<10240x16xf32, #tpu.memory_space<vmem_shared>> -> memref<640x16xf32, #tpu.memory_space<vmem_shared>>
      tpu.wait_dma2 semaphore(%run_scoped3A : memref<!tpu.dma_semaphore, #tpu.memory_space<semaphore_mem>>) src(%arg4 : memref<640x16xf32, #tpu.memory_space<hbm>>) dst(%dma_wait3A_14 : memref<640x16xf32, #tpu.memory_space<vmem_shared>>)
      tpu.yield
    }) : () -> ()
    %barrier3A = arith.constant 0 : index
    tpu.barrier barrier_id(%barrier3A)
    %scan3A = arith.constant 0 : i32
    %scan3A_3 = arith.constant 0 : i32
    %scan3A_4 = arith.constant 125 : i32
    %scan3A_5 = arith.addi %scan3A_3, %scan3A_4 : i32
    %scan3A_6 = arith.constant 1 : i32
    scf.for %scan3A_13 = %scan3A_3 to %scan3A_5 step %scan3A_6  : i32 {
      "tpu.region"() ({
        %run_scoped3A = tpu.sem_alloc : memref<!tpu.dma_semaphore, #tpu.memory_space<semaphore_mem>>
        %dma_start3A = arith.constant 0 : i32
        %dma_start3A_14 = tpu.memref_slice %arg6[%scan3A_13, %dma_start3A] : memref<125x80xi32, #tpu.memory_space<vmem>> -> memref<1x80xi32, #tpu.memory_space<vmem>>
        %dma_start3A_15 = tpu.memref_squeeze %dma_start3A_14 : memref<1x80xi32, #tpu.memory_space<vmem>> -> memref<80xi32, #tpu.memory_space<vmem>>
        %dma_start3A_16 = arith.constant 0 : i32
        %dma_start3A_17 = arith.constant 0 : i32
        %dma_start3A_18 = tpu.memref_slice %arg8[%dma_start3A_16, %dma_start3A_17] : memref<10240x16xf32, #tpu.memory_space<vmem_shared>> -> memref<10240x16xf32, #tpu.memory_space<vmem_shared>>
        tpu.enqueue_indirect_dma source(%arg7 : memref<80x16xf32, #tpu.memory_space<vmem>>) target(%dma_start3A_18 : memref<10240x16xf32, #tpu.memory_space<vmem_shared>>) offsets(%dma_start3A_15 : memref<80xi32, #tpu.memory_space<vmem>>) semaphore(%run_scoped3A : memref<!tpu.dma_semaphore, #tpu.memory_space<semaphore_mem>>) {add = true}
        %dma_wait3A = arith.constant 0 : i32
        %dma_wait3A_19 = tpu.memref_slice %arg6[%scan3A_13, %dma_wait3A] : memref<125x80xi32, #tpu.memory_space<vmem>> -> memref<1x80xi32, #tpu.memory_space<vmem>>
        %dma_wait3A_20 = tpu.memref_squeeze %dma_wait3A_19 : memref<1x80xi32, #tpu.memory_space<vmem>> -> memref<80xi32, #tpu.memory_space<vmem>>
        %dma_wait3A_21 = arith.constant 0 : i32
        %dma_wait3A_22 = arith.constant 0 : i32
        %dma_wait3A_23 = tpu.memref_slice %arg8[%dma_wait3A_21, %dma_wait3A_22] : memref<10240x16xf32, #tpu.memory_space<vmem_shared>> -> memref<10240x16xf32, #tpu.memory_space<vmem_shared>>
        tpu.wait_indirect_dma semaphore(%run_scoped3A : memref<!tpu.dma_semaphore, #tpu.memory_space<semaphore_mem>>) src(%arg7 : memref<80x16xf32, #tpu.memory_space<vmem>>) dst(%dma_wait3A_23 : memref<10240x16xf32, #tpu.memory_space<vmem_shared>>)
        tpu.yield
      }) : () -> ()
    }
    %scan3A_7 = arith.constant 125 : i32
    %barrier3A_8 = arith.constant 0 : index
    tpu.barrier barrier_id(%barrier3A_8)
    %mul3A_9 = arith.constant 640 : i32
    %mul3A_10 = arith.muli %arg1, %mul3A_9 : i32
    %mul3A_11 = arith.constant 640 : i32
    %mul3A_12 = arith.muli %arg1, %mul3A_11 : i32
    "tpu.region"() ({
      %run_scoped3A = tpu.sem_alloc : memref<!tpu.dma_semaphore, #tpu.memory_space<semaphore_mem>>
      %dma_start3A = arith.constant 0 : i32
      %dma_start3A_13 = tpu.memref_slice %arg5[%arg0, %mul3A_12, %dma_start3A] : memref<2x10240x16xf32, #tpu.memory_space<hbm>> -> memref<1x640x16xf32, #tpu.memory_space<hbm>>
      %dma_start3A_14 = tpu.memref_squeeze %dma_start3A_13 : memref<1x640x16xf32, #tpu.memory_space<hbm>> -> memref<640x16xf32, #tpu.memory_space<hbm>>
      %dma_start3A_15 = arith.constant 0 : i32
      %dma_start3A_16 = tpu.memref_slice %arg8[%mul3A_10, %dma_start3A_15] : memref<10240x16xf32, #tpu.memory_space<vmem_shared>> -> memref<640x16xf32, #tpu.memory_space<vmem_shared>>
      tpu.enqueue_dma source(%dma_start3A_16 : memref<640x16xf32, #tpu.memory_space<vmem_shared>>) target(%dma_start3A_14 : memref<640x16xf32, #tpu.memory_space<hbm>>) target_semaphore(%run_scoped3A : memref<!tpu.dma_semaphore, #tpu.memory_space<semaphore_mem>>)
      %dma_wait3A = arith.constant 0 : i32
      %dma_wait3A_17 = tpu.memref_slice %arg5[%arg0, %mul3A_12, %dma_wait3A] : memref<2x10240x16xf32, #tpu.memory_space<hbm>> -> memref<1x640x16xf32, #tpu.memory_space<hbm>>
      %dma_wait3A_18 = tpu.memref_squeeze %dma_wait3A_17 : memref<1x640x16xf32, #tpu.memory_space<hbm>> -> memref<640x16xf32, #tpu.memory_space<hbm>>
      %dma_wait3A_19 = arith.constant 0 : i32
      %dma_wait3A_20 = tpu.memref_slice %arg8[%mul3A_10, %dma_wait3A_19] : memref<10240x16xf32, #tpu.memory_space<vmem_shared>> -> memref<640x16xf32, #tpu.memory_space<vmem_shared>>
      tpu.wait_dma2 semaphore(%run_scoped3A : memref<!tpu.dma_semaphore, #tpu.memory_space<semaphore_mem>>) src(%dma_wait3A_20 : memref<640x16xf32, #tpu.memory_space<vmem_shared>>) dst(%dma_wait3A_18 : memref<640x16xf32, #tpu.memory_space<hbm>>)
      tpu.yield
    }) : () -> ()
    return
  }
}

#map = affine_map<(d0, d1) -> (0, 0)>
#map1 = affine_map<(d0, d1) -> (0, 0, 0, 0)>
#map2 = affine_map<(d0, d1) -> (0, 0, 0)>
module attributes {stable_mosaic.version = 14 : i64} {
  func.func @_agg_kernel(%arg0: i32, %arg1: i32, %arg2: memref<10000x128xf32, #tpu.memory_space<hbm>>, %arg3: memref<32x5x25x80xi32, #tpu.memory_space<hbm>>, %arg4: memref<32x5x25x80xi32, #tpu.memory_space<hbm>>, %arg5: memref<640x128xf32, #tpu.memory_space<hbm>>, %arg6: memref<2x10240x128xf32, #tpu.memory_space<hbm>>, %arg7: memref<25x80xi32, #tpu.memory_space<vmem>>, %arg8: memref<25x80xi32, #tpu.memory_space<vmem>>, %arg9: memref<80x128xf32, #tpu.memory_space<vmem>>, %arg10: memref<80x128xf32, #tpu.memory_space<vmem>>, %arg11: memref<80x128xf32, #tpu.memory_space<vmem>>, %arg12: memref<10240x128xf32, #tpu.memory_space<vmem_shared>>, %arg13: memref<!tpu.dma_semaphore, #tpu.memory_space<semaphore_mem>>, %arg14: memref<!tpu.dma_semaphore, #tpu.memory_space<semaphore_mem>>, %arg15: memref<!tpu.dma_semaphore, #tpu.memory_space<semaphore_mem>>) attributes {dimension_semantics = [#tpu.dimension_semantics<core_parallel>, #tpu.dimension_semantics<subcore_parallel>], iteration_bounds = array<i64: 2, 16>, scalar_prefetch = 0 : i64, scratch_operands = 9 : i64, tpu.core_type = #tpu.core_type<sc_vector_subcore>, window_params = [{transform_indices = #map}, {transform_indices = #map1}, {transform_indices = #map1}, {transform_indices = #map}, {transform_indices = #map2}]} {
    %mul3A = arith.constant 2 : i32
    %mul3A_0 = arith.muli %arg1, %mul3A : i32
    %add3A = arith.addi %mul3A_0, %arg0 : i32
    %mul3A_1 = arith.constant 640 : i32
    %mul3A_2 = arith.muli %arg1, %mul3A_1 : i32
    "tpu.region"() ({
      %run_scoped3A = tpu.sem_alloc : memref<!tpu.dma_semaphore, #tpu.memory_space<semaphore_mem>>
      %dma_start3A = arith.constant 0 : i32
      %dma_start3A_13 = tpu.memref_slice %arg12[%mul3A_2, %dma_start3A] : memref<10240x128xf32, #tpu.memory_space<vmem_shared>> -> memref<640x128xf32, #tpu.memory_space<vmem_shared>>
      tpu.enqueue_dma source(%arg5 : memref<640x128xf32, #tpu.memory_space<hbm>>) target(%dma_start3A_13 : memref<640x128xf32, #tpu.memory_space<vmem_shared>>) target_semaphore(%run_scoped3A : memref<!tpu.dma_semaphore, #tpu.memory_space<semaphore_mem>>)
      %dma_wait3A = arith.constant 0 : i32
      %dma_wait3A_14 = tpu.memref_slice %arg12[%mul3A_2, %dma_wait3A] : memref<10240x128xf32, #tpu.memory_space<vmem_shared>> -> memref<640x128xf32, #tpu.memory_space<vmem_shared>>
      tpu.wait_dma2 semaphore(%run_scoped3A : memref<!tpu.dma_semaphore, #tpu.memory_space<semaphore_mem>>) src(%arg5 : memref<640x128xf32, #tpu.memory_space<hbm>>) dst(%dma_wait3A_14 : memref<640x128xf32, #tpu.memory_space<vmem_shared>>)
      tpu.yield
    }) : () -> ()
    %barrier3A = arith.constant 0 : index
    tpu.barrier barrier_id(%barrier3A)
    %scan3A = arith.constant 0 : i32
    %scan3A_3 = arith.constant 0 : i32
    %scan3A_4 = arith.constant 5 : i32
    %scan3A_5 = arith.addi %scan3A_3, %scan3A_4 : i32
    %scan3A_6 = arith.constant 1 : i32
    scf.for %scan3A_13 = %scan3A_3 to %scan3A_5 step %scan3A_6  : i32 {
      "tpu.region"() ({
        %run_scoped3A = tpu.sem_alloc : memref<!tpu.dma_semaphore, #tpu.memory_space<semaphore_mem>>
        %dma_start3A_40 = arith.constant 0 : i32
        %dma_start3A_41 = arith.constant 0 : i32
        %dma_start3A_42 = tpu.memref_slice %arg3[%add3A, %scan3A_13, %dma_start3A_40, %dma_start3A_41] : memref<32x5x25x80xi32, #tpu.memory_space<hbm>> -> memref<1x1x25x80xi32, #tpu.memory_space<hbm>>
        %dma_start3A_43 = tpu.memref_squeeze %dma_start3A_42 : memref<1x1x25x80xi32, #tpu.memory_space<hbm>> -> memref<25x80xi32, #tpu.memory_space<hbm>>
        %dma_start3A_44 = arith.constant 0 : i32
        %dma_start3A_45 = arith.constant 0 : i32
        %dma_start3A_46 = tpu.memref_slice %arg3[%add3A, %scan3A_13, %dma_start3A_44, %dma_start3A_45] : memref<32x5x25x80xi32, #tpu.memory_space<hbm>> -> memref<1x1x25x80xi32, #tpu.memory_space<hbm>>
        %dma_start3A_47 = tpu.memref_squeeze %dma_start3A_46 : memref<1x1x25x80xi32, #tpu.memory_space<hbm>> -> memref<25x80xi32, #tpu.memory_space<hbm>>
        tpu.enqueue_dma source(%dma_start3A_47 : memref<25x80xi32, #tpu.memory_space<hbm>>) target(%arg7 : memref<25x80xi32, #tpu.memory_space<vmem>>) target_semaphore(%run_scoped3A : memref<!tpu.dma_semaphore, #tpu.memory_space<semaphore_mem>>)
        %dma_wait3A = arith.constant 0 : i32
        %dma_wait3A_48 = arith.constant 0 : i32
        %dma_wait3A_49 = tpu.memref_slice %arg3[%add3A, %scan3A_13, %dma_wait3A, %dma_wait3A_48] : memref<32x5x25x80xi32, #tpu.memory_space<hbm>> -> memref<1x1x25x80xi32, #tpu.memory_space<hbm>>
        %dma_wait3A_50 = tpu.memref_squeeze %dma_wait3A_49 : memref<1x1x25x80xi32, #tpu.memory_space<hbm>> -> memref<25x80xi32, #tpu.memory_space<hbm>>
        %dma_wait3A_51 = arith.constant 0 : i32
        %dma_wait3A_52 = arith.constant 0 : i32
        %dma_wait3A_53 = tpu.memref_slice %arg3[%add3A, %scan3A_13, %dma_wait3A_51, %dma_wait3A_52] : memref<32x5x25x80xi32, #tpu.memory_space<hbm>> -> memref<1x1x25x80xi32, #tpu.memory_space<hbm>>
        %dma_wait3A_54 = tpu.memref_squeeze %dma_wait3A_53 : memref<1x1x25x80xi32, #tpu.memory_space<hbm>> -> memref<25x80xi32, #tpu.memory_space<hbm>>
        tpu.wait_dma2 semaphore(%run_scoped3A : memref<!tpu.dma_semaphore, #tpu.memory_space<semaphore_mem>>) src(%dma_wait3A_54 : memref<25x80xi32, #tpu.memory_space<hbm>>) dst(%arg7 : memref<25x80xi32, #tpu.memory_space<vmem>>)
        tpu.yield
      }) : () -> ()
      "tpu.region"() ({
        %run_scoped3A = tpu.sem_alloc : memref<!tpu.dma_semaphore, #tpu.memory_space<semaphore_mem>>
        %dma_start3A_40 = arith.constant 0 : i32
        %dma_start3A_41 = arith.constant 0 : i32
        %dma_start3A_42 = tpu.memref_slice %arg4[%add3A, %scan3A_13, %dma_start3A_40, %dma_start3A_41] : memref<32x5x25x80xi32, #tpu.memory_space<hbm>> -> memref<1x1x25x80xi32, #tpu.memory_space<hbm>>
        %dma_start3A_43 = tpu.memref_squeeze %dma_start3A_42 : memref<1x1x25x80xi32, #tpu.memory_space<hbm>> -> memref<25x80xi32, #tpu.memory_space<hbm>>
        %dma_start3A_44 = arith.constant 0 : i32
        %dma_start3A_45 = arith.constant 0 : i32
        %dma_start3A_46 = tpu.memref_slice %arg4[%add3A, %scan3A_13, %dma_start3A_44, %dma_start3A_45] : memref<32x5x25x80xi32, #tpu.memory_space<hbm>> -> memref<1x1x25x80xi32, #tpu.memory_space<hbm>>
        %dma_start3A_47 = tpu.memref_squeeze %dma_start3A_46 : memref<1x1x25x80xi32, #tpu.memory_space<hbm>> -> memref<25x80xi32, #tpu.memory_space<hbm>>
        tpu.enqueue_dma source(%dma_start3A_47 : memref<25x80xi32, #tpu.memory_space<hbm>>) target(%arg8 : memref<25x80xi32, #tpu.memory_space<vmem>>) target_semaphore(%run_scoped3A : memref<!tpu.dma_semaphore, #tpu.memory_space<semaphore_mem>>)
        %dma_wait3A = arith.constant 0 : i32
        %dma_wait3A_48 = arith.constant 0 : i32
        %dma_wait3A_49 = tpu.memref_slice %arg4[%add3A, %scan3A_13, %dma_wait3A, %dma_wait3A_48] : memref<32x5x25x80xi32, #tpu.memory_space<hbm>> -> memref<1x1x25x80xi32, #tpu.memory_space<hbm>>
        %dma_wait3A_50 = tpu.memref_squeeze %dma_wait3A_49 : memref<1x1x25x80xi32, #tpu.memory_space<hbm>> -> memref<25x80xi32, #tpu.memory_space<hbm>>
        %dma_wait3A_51 = arith.constant 0 : i32
        %dma_wait3A_52 = arith.constant 0 : i32
        %dma_wait3A_53 = tpu.memref_slice %arg4[%add3A, %scan3A_13, %dma_wait3A_51, %dma_wait3A_52] : memref<32x5x25x80xi32, #tpu.memory_space<hbm>> -> memref<1x1x25x80xi32, #tpu.memory_space<hbm>>
        %dma_wait3A_54 = tpu.memref_squeeze %dma_wait3A_53 : memref<1x1x25x80xi32, #tpu.memory_space<hbm>> -> memref<25x80xi32, #tpu.memory_space<hbm>>
        tpu.wait_dma2 semaphore(%run_scoped3A : memref<!tpu.dma_semaphore, #tpu.memory_space<semaphore_mem>>) src(%dma_wait3A_54 : memref<25x80xi32, #tpu.memory_space<hbm>>) dst(%arg8 : memref<25x80xi32, #tpu.memory_space<vmem>>)
        tpu.yield
      }) : () -> ()
      %dma_start3A = arith.constant 0 : i32
      %dma_start3A_14 = arith.constant 0 : i32
      %dma_start3A_15 = tpu.memref_slice %arg7[%dma_start3A, %dma_start3A_14] : memref<25x80xi32, #tpu.memory_space<vmem>> -> memref<1x80xi32, #tpu.memory_space<vmem>>
      %dma_start3A_16 = tpu.memref_squeeze %dma_start3A_15 : memref<1x80xi32, #tpu.memory_space<vmem>> -> memref<80xi32, #tpu.memory_space<vmem>>
      %dma_start3A_17 = arith.constant 0 : i32
      %dma_start3A_18 = arith.constant 0 : i32
      %dma_start3A_19 = tpu.memref_slice %arg2[%dma_start3A_17, %dma_start3A_18] : memref<10000x128xf32, #tpu.memory_space<hbm>> -> memref<10000x128xf32, #tpu.memory_space<hbm>>
      tpu.enqueue_indirect_dma source(%dma_start3A_19 : memref<10000x128xf32, #tpu.memory_space<hbm>>) target(%arg9 : memref<80x128xf32, #tpu.memory_space<vmem>>) offsets(%dma_start3A_16 : memref<80xi32, #tpu.memory_space<vmem>>) semaphore(%arg13 : memref<!tpu.dma_semaphore, #tpu.memory_space<semaphore_mem>>)
      %dma_start3A_20 = arith.constant 1 : i32
      %dma_start3A_21 = arith.constant 0 : i32
      %dma_start3A_22 = tpu.memref_slice %arg7[%dma_start3A_20, %dma_start3A_21] : memref<25x80xi32, #tpu.memory_space<vmem>> -> memref<1x80xi32, #tpu.memory_space<vmem>>
      %dma_start3A_23 = tpu.memref_squeeze %dma_start3A_22 : memref<1x80xi32, #tpu.memory_space<vmem>> -> memref<80xi32, #tpu.memory_space<vmem>>
      %dma_start3A_24 = arith.constant 0 : i32
      %dma_start3A_25 = arith.constant 0 : i32
      %dma_start3A_26 = tpu.memref_slice %arg2[%dma_start3A_24, %dma_start3A_25] : memref<10000x128xf32, #tpu.memory_space<hbm>> -> memref<10000x128xf32, #tpu.memory_space<hbm>>
      tpu.enqueue_indirect_dma source(%dma_start3A_26 : memref<10000x128xf32, #tpu.memory_space<hbm>>) target(%arg10 : memref<80x128xf32, #tpu.memory_space<vmem>>) offsets(%dma_start3A_23 : memref<80xi32, #tpu.memory_space<vmem>>) semaphore(%arg14 : memref<!tpu.dma_semaphore, #tpu.memory_space<semaphore_mem>>)
      %dma_start3A_27 = arith.constant 2 : i32
      %dma_start3A_28 = arith.constant 0 : i32
      %dma_start3A_29 = tpu.memref_slice %arg7[%dma_start3A_27, %dma_start3A_28] : memref<25x80xi32, #tpu.memory_space<vmem>> -> memref<1x80xi32, #tpu.memory_space<vmem>>
      %dma_start3A_30 = tpu.memref_squeeze %dma_start3A_29 : memref<1x80xi32, #tpu.memory_space<vmem>> -> memref<80xi32, #tpu.memory_space<vmem>>
      %dma_start3A_31 = arith.constant 0 : i32
      %dma_start3A_32 = arith.constant 0 : i32
      %dma_start3A_33 = tpu.memref_slice %arg2[%dma_start3A_31, %dma_start3A_32] : memref<10000x128xf32, #tpu.memory_space<hbm>> -> memref<10000x128xf32, #tpu.memory_space<hbm>>
      tpu.enqueue_indirect_dma source(%dma_start3A_33 : memref<10000x128xf32, #tpu.memory_space<hbm>>) target(%arg11 : memref<80x128xf32, #tpu.memory_space<vmem>>) offsets(%dma_start3A_30 : memref<80xi32, #tpu.memory_space<vmem>>) semaphore(%arg15 : memref<!tpu.dma_semaphore, #tpu.memory_space<semaphore_mem>>)
      %scan3A_34 = arith.constant 0 : i32
      %scan3A_35 = arith.constant 0 : i32
      %scan3A_36 = arith.constant 25 : i32
      %scan3A_37 = arith.addi %scan3A_35, %scan3A_36 : i32
      %scan3A_38 = arith.constant 1 : i32
      scf.for %scan3A_40 = %scan3A_35 to %scan3A_37 step %scan3A_38  : i32 {
        %jit3A = arith.constant 3 : i32
        %eq3A = arith.constant 0 : i32
        %eq3A_41 = arith.cmpi eq, %jit3A, %eq3A : i32
        %jit3A_42 = arith.constant 1 : i32
        %select_n3A = arith.select %eq3A_41, %jit3A_42, %jit3A : i32
        %rem3A = arith.remsi %scan3A_40, %select_n3A : i32
        %ne3A = arith.constant 0 : i32
        %ne3A_43 = arith.cmpi ne, %rem3A, %ne3A : i32
        %lt3A = arith.constant 0 : i32
        %lt3A_44 = arith.cmpi slt, %rem3A, %lt3A : i32
        %lt3A_45 = arith.constant 0 : i32
        %lt3A_46 = arith.cmpi slt, %select_n3A, %lt3A_45 : i32
        %ne3A_47 = arith.xori %lt3A_44, %lt3A_46 : i1
        %and3A = arith.andi %ne3A_47, %ne3A_43 : i1
        %add3A_48 = arith.addi %rem3A, %select_n3A : i32
        %select_n3A_49 = arith.select %and3A, %add3A_48, %rem3A : i32
        %eq3A_50 = arith.constant 0 : i32
        %eq3A_51 = arith.cmpi eq, %select_n3A_49, %eq3A_50 : i32
        %convert_element_type3A = arith.extui %eq3A_51 : i1 to i32
        %cond3A = arith.constant 0 : i32
        %cond3A_52 = arith.cmpi ne, %convert_element_type3A, %cond3A : i32
        scf.if %cond3A_52 {
          %dma_wait3A = arith.constant 0 : i32
          %dma_wait3A_95 = tpu.memref_slice %arg7[%scan3A_40, %dma_wait3A] : memref<25x80xi32, #tpu.memory_space<vmem>> -> memref<1x80xi32, #tpu.memory_space<vmem>>
          %dma_wait3A_96 = tpu.memref_squeeze %dma_wait3A_95 : memref<1x80xi32, #tpu.memory_space<vmem>> -> memref<80xi32, #tpu.memory_space<vmem>>
          %dma_wait3A_97 = arith.constant 0 : i32
          %dma_wait3A_98 = arith.constant 0 : i32
          %dma_wait3A_99 = tpu.memref_slice %arg2[%dma_wait3A_97, %dma_wait3A_98] : memref<10000x128xf32, #tpu.memory_space<hbm>> -> memref<10000x128xf32, #tpu.memory_space<hbm>>
          tpu.wait_indirect_dma semaphore(%arg13 : memref<!tpu.dma_semaphore, #tpu.memory_space<semaphore_mem>>) src(%dma_wait3A_99 : memref<10000x128xf32, #tpu.memory_space<hbm>>) dst(%arg9 : memref<80x128xf32, #tpu.memory_space<vmem>>)
          "tpu.region"() ({
            %run_scoped3A = tpu.sem_alloc : memref<!tpu.dma_semaphore, #tpu.memory_space<semaphore_mem>>
            %dma_start3A_107 = arith.constant 0 : i32
            %dma_start3A_108 = tpu.memref_slice %arg8[%scan3A_40, %dma_start3A_107] : memref<25x80xi32, #tpu.memory_space<vmem>> -> memref<1x80xi32, #tpu.memory_space<vmem>>
            %dma_start3A_109 = tpu.memref_squeeze %dma_start3A_108 : memref<1x80xi32, #tpu.memory_space<vmem>> -> memref<80xi32, #tpu.memory_space<vmem>>
            %dma_start3A_110 = arith.constant 0 : i32
            %dma_start3A_111 = arith.constant 0 : i32
            %dma_start3A_112 = tpu.memref_slice %arg12[%dma_start3A_110, %dma_start3A_111] : memref<10240x128xf32, #tpu.memory_space<vmem_shared>> -> memref<10240x128xf32, #tpu.memory_space<vmem_shared>>
            tpu.enqueue_indirect_dma source(%arg9 : memref<80x128xf32, #tpu.memory_space<vmem>>) target(%dma_start3A_112 : memref<10240x128xf32, #tpu.memory_space<vmem_shared>>) offsets(%dma_start3A_109 : memref<80xi32, #tpu.memory_space<vmem>>) semaphore(%run_scoped3A : memref<!tpu.dma_semaphore, #tpu.memory_space<semaphore_mem>>) {add = true}
            %dma_wait3A_113 = arith.constant 0 : i32
            %dma_wait3A_114 = tpu.memref_slice %arg8[%scan3A_40, %dma_wait3A_113] : memref<25x80xi32, #tpu.memory_space<vmem>> -> memref<1x80xi32, #tpu.memory_space<vmem>>
            %dma_wait3A_115 = tpu.memref_squeeze %dma_wait3A_114 : memref<1x80xi32, #tpu.memory_space<vmem>> -> memref<80xi32, #tpu.memory_space<vmem>>
            %dma_wait3A_116 = arith.constant 0 : i32
            %dma_wait3A_117 = arith.constant 0 : i32
            %dma_wait3A_118 = tpu.memref_slice %arg12[%dma_wait3A_116, %dma_wait3A_117] : memref<10240x128xf32, #tpu.memory_space<vmem_shared>> -> memref<10240x128xf32, #tpu.memory_space<vmem_shared>>
            tpu.wait_indirect_dma semaphore(%run_scoped3A : memref<!tpu.dma_semaphore, #tpu.memory_space<semaphore_mem>>) src(%arg9 : memref<80x128xf32, #tpu.memory_space<vmem>>) dst(%dma_wait3A_118 : memref<10240x128xf32, #tpu.memory_space<vmem_shared>>)
            tpu.yield
          }) : () -> ()
          %add3A_100 = arith.constant 3 : i32
          %add3A_101 = arith.addi %scan3A_40, %add3A_100 : i32
          %lt3A_102 = arith.constant 25 : i32
          %lt3A_103 = arith.cmpi slt, %add3A_101, %lt3A_102 : i32
          %convert_element_type3A_104 = arith.extui %lt3A_103 : i1 to i32
          %cond3A_105 = arith.constant 0 : i32
          %cond3A_106 = arith.cmpi ne, %convert_element_type3A_104, %cond3A_105 : i32
          scf.if %cond3A_106 {
            %add3A_107 = arith.constant 3 : i32
            %add3A_108 = arith.addi %scan3A_40, %add3A_107 : i32
            %dma_start3A_109 = arith.constant 0 : i32
            %dma_start3A_110 = tpu.memref_slice %arg7[%add3A_108, %dma_start3A_109] : memref<25x80xi32, #tpu.memory_space<vmem>> -> memref<1x80xi32, #tpu.memory_space<vmem>>
            %dma_start3A_111 = tpu.memref_squeeze %dma_start3A_110 : memref<1x80xi32, #tpu.memory_space<vmem>> -> memref<80xi32, #tpu.memory_space<vmem>>
            %dma_start3A_112 = arith.constant 0 : i32
            %dma_start3A_113 = arith.constant 0 : i32
            %dma_start3A_114 = tpu.memref_slice %arg2[%dma_start3A_112, %dma_start3A_113] : memref<10000x128xf32, #tpu.memory_space<hbm>> -> memref<10000x128xf32, #tpu.memory_space<hbm>>
            tpu.enqueue_indirect_dma source(%dma_start3A_114 : memref<10000x128xf32, #tpu.memory_space<hbm>>) target(%arg9 : memref<80x128xf32, #tpu.memory_space<vmem>>) offsets(%dma_start3A_111 : memref<80xi32, #tpu.memory_space<vmem>>) semaphore(%arg13 : memref<!tpu.dma_semaphore, #tpu.memory_space<semaphore_mem>>)
          } else {
          }
        } else {
        }
        %jit3A_53 = arith.constant 3 : i32
        %eq3A_54 = arith.constant 0 : i32
        %eq3A_55 = arith.cmpi eq, %jit3A_53, %eq3A_54 : i32
        %jit3A_56 = arith.constant 1 : i32
        %select_n3A_57 = arith.select %eq3A_55, %jit3A_56, %jit3A_53 : i32
        %rem3A_58 = arith.remsi %scan3A_40, %select_n3A_57 : i32
        %ne3A_59 = arith.constant 0 : i32
        %ne3A_60 = arith.cmpi ne, %rem3A_58, %ne3A_59 : i32
        %lt3A_61 = arith.constant 0 : i32
        %lt3A_62 = arith.cmpi slt, %rem3A_58, %lt3A_61 : i32
        %lt3A_63 = arith.constant 0 : i32
        %lt3A_64 = arith.cmpi slt, %select_n3A_57, %lt3A_63 : i32
        %ne3A_65 = arith.xori %lt3A_62, %lt3A_64 : i1
        %and3A_66 = arith.andi %ne3A_65, %ne3A_60 : i1
        %add3A_67 = arith.addi %rem3A_58, %select_n3A_57 : i32
        %select_n3A_68 = arith.select %and3A_66, %add3A_67, %rem3A_58 : i32
        %eq3A_69 = arith.constant 1 : i32
        %eq3A_70 = arith.cmpi eq, %select_n3A_68, %eq3A_69 : i32
        %convert_element_type3A_71 = arith.extui %eq3A_70 : i1 to i32
        %cond3A_72 = arith.constant 0 : i32
        %cond3A_73 = arith.cmpi ne, %convert_element_type3A_71, %cond3A_72 : i32
        scf.if %cond3A_73 {
          %dma_wait3A = arith.constant 0 : i32
          %dma_wait3A_95 = tpu.memref_slice %arg7[%scan3A_40, %dma_wait3A] : memref<25x80xi32, #tpu.memory_space<vmem>> -> memref<1x80xi32, #tpu.memory_space<vmem>>
          %dma_wait3A_96 = tpu.memref_squeeze %dma_wait3A_95 : memref<1x80xi32, #tpu.memory_space<vmem>> -> memref<80xi32, #tpu.memory_space<vmem>>
          %dma_wait3A_97 = arith.constant 0 : i32
          %dma_wait3A_98 = arith.constant 0 : i32
          %dma_wait3A_99 = tpu.memref_slice %arg2[%dma_wait3A_97, %dma_wait3A_98] : memref<10000x128xf32, #tpu.memory_space<hbm>> -> memref<10000x128xf32, #tpu.memory_space<hbm>>
          tpu.wait_indirect_dma semaphore(%arg14 : memref<!tpu.dma_semaphore, #tpu.memory_space<semaphore_mem>>) src(%dma_wait3A_99 : memref<10000x128xf32, #tpu.memory_space<hbm>>) dst(%arg10 : memref<80x128xf32, #tpu.memory_space<vmem>>)
          "tpu.region"() ({
            %run_scoped3A = tpu.sem_alloc : memref<!tpu.dma_semaphore, #tpu.memory_space<semaphore_mem>>
            %dma_start3A_107 = arith.constant 0 : i32
            %dma_start3A_108 = tpu.memref_slice %arg8[%scan3A_40, %dma_start3A_107] : memref<25x80xi32, #tpu.memory_space<vmem>> -> memref<1x80xi32, #tpu.memory_space<vmem>>
            %dma_start3A_109 = tpu.memref_squeeze %dma_start3A_108 : memref<1x80xi32, #tpu.memory_space<vmem>> -> memref<80xi32, #tpu.memory_space<vmem>>
            %dma_start3A_110 = arith.constant 0 : i32
            %dma_start3A_111 = arith.constant 0 : i32
            %dma_start3A_112 = tpu.memref_slice %arg12[%dma_start3A_110, %dma_start3A_111] : memref<10240x128xf32, #tpu.memory_space<vmem_shared>> -> memref<10240x128xf32, #tpu.memory_space<vmem_shared>>
            tpu.enqueue_indirect_dma source(%arg10 : memref<80x128xf32, #tpu.memory_space<vmem>>) target(%dma_start3A_112 : memref<10240x128xf32, #tpu.memory_space<vmem_shared>>) offsets(%dma_start3A_109 : memref<80xi32, #tpu.memory_space<vmem>>) semaphore(%run_scoped3A : memref<!tpu.dma_semaphore, #tpu.memory_space<semaphore_mem>>) {add = true}
            %dma_wait3A_113 = arith.constant 0 : i32
            %dma_wait3A_114 = tpu.memref_slice %arg8[%scan3A_40, %dma_wait3A_113] : memref<25x80xi32, #tpu.memory_space<vmem>> -> memref<1x80xi32, #tpu.memory_space<vmem>>
            %dma_wait3A_115 = tpu.memref_squeeze %dma_wait3A_114 : memref<1x80xi32, #tpu.memory_space<vmem>> -> memref<80xi32, #tpu.memory_space<vmem>>
            %dma_wait3A_116 = arith.constant 0 : i32
            %dma_wait3A_117 = arith.constant 0 : i32
            %dma_wait3A_118 = tpu.memref_slice %arg12[%dma_wait3A_116, %dma_wait3A_117] : memref<10240x128xf32, #tpu.memory_space<vmem_shared>> -> memref<10240x128xf32, #tpu.memory_space<vmem_shared>>
            tpu.wait_indirect_dma semaphore(%run_scoped3A : memref<!tpu.dma_semaphore, #tpu.memory_space<semaphore_mem>>) src(%arg10 : memref<80x128xf32, #tpu.memory_space<vmem>>) dst(%dma_wait3A_118 : memref<10240x128xf32, #tpu.memory_space<vmem_shared>>)
            tpu.yield
          }) : () -> ()
          %add3A_100 = arith.constant 3 : i32
          %add3A_101 = arith.addi %scan3A_40, %add3A_100 : i32
          %lt3A_102 = arith.constant 25 : i32
          %lt3A_103 = arith.cmpi slt, %add3A_101, %lt3A_102 : i32
          %convert_element_type3A_104 = arith.extui %lt3A_103 : i1 to i32
          %cond3A_105 = arith.constant 0 : i32
          %cond3A_106 = arith.cmpi ne, %convert_element_type3A_104, %cond3A_105 : i32
          scf.if %cond3A_106 {
            %add3A_107 = arith.constant 3 : i32
            %add3A_108 = arith.addi %scan3A_40, %add3A_107 : i32
            %dma_start3A_109 = arith.constant 0 : i32
            %dma_start3A_110 = tpu.memref_slice %arg7[%add3A_108, %dma_start3A_109] : memref<25x80xi32, #tpu.memory_space<vmem>> -> memref<1x80xi32, #tpu.memory_space<vmem>>
            %dma_start3A_111 = tpu.memref_squeeze %dma_start3A_110 : memref<1x80xi32, #tpu.memory_space<vmem>> -> memref<80xi32, #tpu.memory_space<vmem>>
            %dma_start3A_112 = arith.constant 0 : i32
            %dma_start3A_113 = arith.constant 0 : i32
            %dma_start3A_114 = tpu.memref_slice %arg2[%dma_start3A_112, %dma_start3A_113] : memref<10000x128xf32, #tpu.memory_space<hbm>> -> memref<10000x128xf32, #tpu.memory_space<hbm>>
            tpu.enqueue_indirect_dma source(%dma_start3A_114 : memref<10000x128xf32, #tpu.memory_space<hbm>>) target(%arg10 : memref<80x128xf32, #tpu.memory_space<vmem>>) offsets(%dma_start3A_111 : memref<80xi32, #tpu.memory_space<vmem>>) semaphore(%arg14 : memref<!tpu.dma_semaphore, #tpu.memory_space<semaphore_mem>>)
          } else {
          }
        } else {
        }
        %jit3A_74 = arith.constant 3 : i32
        %eq3A_75 = arith.constant 0 : i32
        %eq3A_76 = arith.cmpi eq, %jit3A_74, %eq3A_75 : i32
        %jit3A_77 = arith.constant 1 : i32
        %select_n3A_78 = arith.select %eq3A_76, %jit3A_77, %jit3A_74 : i32
        %rem3A_79 = arith.remsi %scan3A_40, %select_n3A_78 : i32
        %ne3A_80 = arith.constant 0 : i32
        %ne3A_81 = arith.cmpi ne, %rem3A_79, %ne3A_80 : i32
        %lt3A_82 = arith.constant 0 : i32
        %lt3A_83 = arith.cmpi slt, %rem3A_79, %lt3A_82 : i32
        %lt3A_84 = arith.constant 0 : i32
        %lt3A_85 = arith.cmpi slt, %select_n3A_78, %lt3A_84 : i32
        %ne3A_86 = arith.xori %lt3A_83, %lt3A_85 : i1
        %and3A_87 = arith.andi %ne3A_86, %ne3A_81 : i1
        %add3A_88 = arith.addi %rem3A_79, %select_n3A_78 : i32
        %select_n3A_89 = arith.select %and3A_87, %add3A_88, %rem3A_79 : i32
        %eq3A_90 = arith.constant 2 : i32
        %eq3A_91 = arith.cmpi eq, %select_n3A_89, %eq3A_90 : i32
        %convert_element_type3A_92 = arith.extui %eq3A_91 : i1 to i32
        %cond3A_93 = arith.constant 0 : i32
        %cond3A_94 = arith.cmpi ne, %convert_element_type3A_92, %cond3A_93 : i32
        scf.if %cond3A_94 {
          %dma_wait3A = arith.constant 0 : i32
          %dma_wait3A_95 = tpu.memref_slice %arg7[%scan3A_40, %dma_wait3A] : memref<25x80xi32, #tpu.memory_space<vmem>> -> memref<1x80xi32, #tpu.memory_space<vmem>>
          %dma_wait3A_96 = tpu.memref_squeeze %dma_wait3A_95 : memref<1x80xi32, #tpu.memory_space<vmem>> -> memref<80xi32, #tpu.memory_space<vmem>>
          %dma_wait3A_97 = arith.constant 0 : i32
          %dma_wait3A_98 = arith.constant 0 : i32
          %dma_wait3A_99 = tpu.memref_slice %arg2[%dma_wait3A_97, %dma_wait3A_98] : memref<10000x128xf32, #tpu.memory_space<hbm>> -> memref<10000x128xf32, #tpu.memory_space<hbm>>
          tpu.wait_indirect_dma semaphore(%arg15 : memref<!tpu.dma_semaphore, #tpu.memory_space<semaphore_mem>>) src(%dma_wait3A_99 : memref<10000x128xf32, #tpu.memory_space<hbm>>) dst(%arg11 : memref<80x128xf32, #tpu.memory_space<vmem>>)
          "tpu.region"() ({
            %run_scoped3A = tpu.sem_alloc : memref<!tpu.dma_semaphore, #tpu.memory_space<semaphore_mem>>
            %dma_start3A_107 = arith.constant 0 : i32
            %dma_start3A_108 = tpu.memref_slice %arg8[%scan3A_40, %dma_start3A_107] : memref<25x80xi32, #tpu.memory_space<vmem>> -> memref<1x80xi32, #tpu.memory_space<vmem>>
            %dma_start3A_109 = tpu.memref_squeeze %dma_start3A_108 : memref<1x80xi32, #tpu.memory_space<vmem>> -> memref<80xi32, #tpu.memory_space<vmem>>
            %dma_start3A_110 = arith.constant 0 : i32
            %dma_start3A_111 = arith.constant 0 : i32
            %dma_start3A_112 = tpu.memref_slice %arg12[%dma_start3A_110, %dma_start3A_111] : memref<10240x128xf32, #tpu.memory_space<vmem_shared>> -> memref<10240x128xf32, #tpu.memory_space<vmem_shared>>
            tpu.enqueue_indirect_dma source(%arg11 : memref<80x128xf32, #tpu.memory_space<vmem>>) target(%dma_start3A_112 : memref<10240x128xf32, #tpu.memory_space<vmem_shared>>) offsets(%dma_start3A_109 : memref<80xi32, #tpu.memory_space<vmem>>) semaphore(%run_scoped3A : memref<!tpu.dma_semaphore, #tpu.memory_space<semaphore_mem>>) {add = true}
            %dma_wait3A_113 = arith.constant 0 : i32
            %dma_wait3A_114 = tpu.memref_slice %arg8[%scan3A_40, %dma_wait3A_113] : memref<25x80xi32, #tpu.memory_space<vmem>> -> memref<1x80xi32, #tpu.memory_space<vmem>>
            %dma_wait3A_115 = tpu.memref_squeeze %dma_wait3A_114 : memref<1x80xi32, #tpu.memory_space<vmem>> -> memref<80xi32, #tpu.memory_space<vmem>>
            %dma_wait3A_116 = arith.constant 0 : i32
            %dma_wait3A_117 = arith.constant 0 : i32
            %dma_wait3A_118 = tpu.memref_slice %arg12[%dma_wait3A_116, %dma_wait3A_117] : memref<10240x128xf32, #tpu.memory_space<vmem_shared>> -> memref<10240x128xf32, #tpu.memory_space<vmem_shared>>
            tpu.wait_indirect_dma semaphore(%run_scoped3A : memref<!tpu.dma_semaphore, #tpu.memory_space<semaphore_mem>>) src(%arg11 : memref<80x128xf32, #tpu.memory_space<vmem>>) dst(%dma_wait3A_118 : memref<10240x128xf32, #tpu.memory_space<vmem_shared>>)
            tpu.yield
          }) : () -> ()
          %add3A_100 = arith.constant 3 : i32
          %add3A_101 = arith.addi %scan3A_40, %add3A_100 : i32
          %lt3A_102 = arith.constant 25 : i32
          %lt3A_103 = arith.cmpi slt, %add3A_101, %lt3A_102 : i32
          %convert_element_type3A_104 = arith.extui %lt3A_103 : i1 to i32
          %cond3A_105 = arith.constant 0 : i32
          %cond3A_106 = arith.cmpi ne, %convert_element_type3A_104, %cond3A_105 : i32
          scf.if %cond3A_106 {
            %add3A_107 = arith.constant 3 : i32
            %add3A_108 = arith.addi %scan3A_40, %add3A_107 : i32
            %dma_start3A_109 = arith.constant 0 : i32
            %dma_start3A_110 = tpu.memref_slice %arg7[%add3A_108, %dma_start3A_109] : memref<25x80xi32, #tpu.memory_space<vmem>> -> memref<1x80xi32, #tpu.memory_space<vmem>>
            %dma_start3A_111 = tpu.memref_squeeze %dma_start3A_110 : memref<1x80xi32, #tpu.memory_space<vmem>> -> memref<80xi32, #tpu.memory_space<vmem>>
            %dma_start3A_112 = arith.constant 0 : i32
            %dma_start3A_113 = arith.constant 0 : i32
            %dma_start3A_114 = tpu.memref_slice %arg2[%dma_start3A_112, %dma_start3A_113] : memref<10000x128xf32, #tpu.memory_space<hbm>> -> memref<10000x128xf32, #tpu.memory_space<hbm>>
            tpu.enqueue_indirect_dma source(%dma_start3A_114 : memref<10000x128xf32, #tpu.memory_space<hbm>>) target(%arg11 : memref<80x128xf32, #tpu.memory_space<vmem>>) offsets(%dma_start3A_111 : memref<80xi32, #tpu.memory_space<vmem>>) semaphore(%arg15 : memref<!tpu.dma_semaphore, #tpu.memory_space<semaphore_mem>>)
          } else {
          }
        } else {
        }
      }
      %scan3A_39 = arith.constant 25 : i32
    }
    %scan3A_7 = arith.constant 5 : i32
    %barrier3A_8 = arith.constant 0 : index
    tpu.barrier barrier_id(%barrier3A_8)
    %mul3A_9 = arith.constant 640 : i32
    %mul3A_10 = arith.muli %arg1, %mul3A_9 : i32
    %mul3A_11 = arith.constant 640 : i32
    %mul3A_12 = arith.muli %arg1, %mul3A_11 : i32
    "tpu.region"() ({
      %run_scoped3A = tpu.sem_alloc : memref<!tpu.dma_semaphore, #tpu.memory_space<semaphore_mem>>
      %dma_start3A = arith.constant 0 : i32
      %dma_start3A_13 = tpu.memref_slice %arg6[%arg0, %mul3A_12, %dma_start3A] : memref<2x10240x128xf32, #tpu.memory_space<hbm>> -> memref<1x640x128xf32, #tpu.memory_space<hbm>>
      %dma_start3A_14 = tpu.memref_squeeze %dma_start3A_13 : memref<1x640x128xf32, #tpu.memory_space<hbm>> -> memref<640x128xf32, #tpu.memory_space<hbm>>
      %dma_start3A_15 = arith.constant 0 : i32
      %dma_start3A_16 = tpu.memref_slice %arg12[%mul3A_10, %dma_start3A_15] : memref<10240x128xf32, #tpu.memory_space<vmem_shared>> -> memref<640x128xf32, #tpu.memory_space<vmem_shared>>
      tpu.enqueue_dma source(%dma_start3A_16 : memref<640x128xf32, #tpu.memory_space<vmem_shared>>) target(%dma_start3A_14 : memref<640x128xf32, #tpu.memory_space<hbm>>) target_semaphore(%run_scoped3A : memref<!tpu.dma_semaphore, #tpu.memory_space<semaphore_mem>>)
      %dma_wait3A = arith.constant 0 : i32
      %dma_wait3A_17 = tpu.memref_slice %arg6[%arg0, %mul3A_12, %dma_wait3A] : memref<2x10240x128xf32, #tpu.memory_space<hbm>> -> memref<1x640x128xf32, #tpu.memory_space<hbm>>
      %dma_wait3A_18 = tpu.memref_squeeze %dma_wait3A_17 : memref<1x640x128xf32, #tpu.memory_space<hbm>> -> memref<640x128xf32, #tpu.memory_space<hbm>>
      %dma_wait3A_19 = arith.constant 0 : i32
      %dma_wait3A_20 = tpu.memref_slice %arg12[%mul3A_10, %dma_wait3A_19] : memref<10240x128xf32, #tpu.memory_space<vmem_shared>> -> memref<640x128xf32, #tpu.memory_space<vmem_shared>>
      tpu.wait_dma2 semaphore(%run_scoped3A : memref<!tpu.dma_semaphore, #tpu.memory_space<semaphore_mem>>) src(%dma_wait3A_20 : memref<640x128xf32, #tpu.memory_space<vmem_shared>>) dst(%dma_wait3A_18 : memref<640x128xf32, #tpu.memory_space<hbm>>)
      tpu.yield
    }) : () -> ()
    return
  }
}

module attributes {stable_mosaic.version = 14 : i64} {
  func.func @_prescale_body(%arg0: memref<2x10000x1xf32, #tpu.memory_space<vmem>>, %arg1: memref<10000x128xf32, #tpu.memory_space<vmem>>, %arg2: memref<10000x128xf32, #tpu.memory_space<vmem>>) attributes {dimension_semantics = [], scalar_prefetch = 0 : i64, scratch_operands = 0 : i64, tpu.core_type = #tpu.core_type<tc>} {
    %get3A = arith.constant 0 : index
    %get3A_0 = arith.constant 0 : index
    %get3A_1 = vector.load %arg1[%get3A, %get3A_0] : memref<10000x128xf32, #tpu.memory_space<vmem>>, vector<10000x128xf32>
    %get3A_2 = arith.constant 0 : index
    %get3A_3 = arith.constant 0 : index
    %get3A_4 = arith.constant 0 : index
    %get3A_5 = vector.load %arg0[%get3A_2, %get3A_3, %get3A_4] : memref<2x10000x1xf32, #tpu.memory_space<vmem>>, vector<1x10000x1xf32>
    %get3A_6 = vector.shape_cast %get3A_5 : vector<1x10000x1xf32> to vector<10000x1xf32>
    %get3A_7 = arith.constant 1 : index
    %get3A_8 = arith.constant 0 : index
    %get3A_9 = arith.constant 0 : index
    %get3A_10 = vector.load %arg0[%get3A_7, %get3A_8, %get3A_9] : memref<2x10000x1xf32, #tpu.memory_space<vmem>>, vector<1x10000x1xf32>
    %get3A_11 = vector.shape_cast %get3A_10 : vector<1x10000x1xf32> to vector<10000x1xf32>
    %add3A = arith.addf %get3A_6, %get3A_11 : vector<10000x1xf32>
    %max3A = arith.constant 1.000000e+00 : f32
    %max3A_12 = vector.broadcast %max3A : f32 to vector<10000x1xf32>
    %max3A_13 = arith.maximumf %add3A, %max3A_12 : vector<10000x1xf32>
    %rsqrt3A = math.rsqrt %max3A_13 : vector<10000x1xf32>
    %gt3A = arith.constant 0.000000e+00 : f32
    %gt3A_14 = vector.broadcast %gt3A : f32 to vector<10000x1xf32>
    %gt3A_15 = arith.cmpf ogt, %add3A, %gt3A_14 : vector<10000x1xf32>
    %jit3A = arith.constant 0.000000e+00 : f32
    %broadcast_in_dim3A = vector.broadcast %jit3A : f32 to vector<10000x1xf32>
    %select_n3A = arith.select %gt3A_15, %rsqrt3A, %broadcast_in_dim3A : vector<10000x1xi1>, vector<10000x1xf32>
    %mul3A = vector.broadcast %select_n3A : vector<10000x1xf32> to vector<10000x128xf32>
    %mul3A_16 = arith.mulf %get3A_1, %mul3A : vector<10000x128xf32>
    %swap3A = arith.constant 0 : index
    %swap3A_17 = arith.constant 0 : index
    %swap3A_18 = vector.load %arg2[%swap3A, %swap3A_17] : memref<10000x128xf32, #tpu.memory_space<vmem>>, vector<10000x128xf32>
    tpu.vector_store %arg2[%swap3A, %swap3A_17], %mul3A_16 {strides = array<i32>} : memref<10000x128xf32, #tpu.memory_space<vmem>>, vector<10000x128xf32>,
    return
  }
}

module attributes {stable_mosaic.version = 14 : i64} {
  func.func @_mid_body(%arg0: memref<2x10000x1xf32, #tpu.memory_space<vmem>>, %arg1: memref<2x10240x128xf32, #tpu.memory_space<vmem>>, %arg2: memref<128x128xf32, #tpu.memory_space<vmem>>, %arg3: memref<1x128xf32, #tpu.memory_space<vmem>>, %arg4: memref<10000x128xf32, #tpu.memory_space<vmem>>) attributes {dimension_semantics = [], scalar_prefetch = 0 : i64, scratch_operands = 0 : i64, tpu.core_type = #tpu.core_type<tc>} {
    %get3A = arith.constant 0 : index
    %get3A_0 = arith.constant 0 : index
    %get3A_1 = arith.constant 0 : index
    %get3A_2 = vector.load %arg0[%get3A, %get3A_0, %get3A_1] : memref<2x10000x1xf32, #tpu.memory_space<vmem>>, vector<1x10000x1xf32>
    %get3A_3 = vector.shape_cast %get3A_2 : vector<1x10000x1xf32> to vector<10000x1xf32>
    %get3A_4 = arith.constant 1 : index
    %get3A_5 = arith.constant 0 : index
    %get3A_6 = arith.constant 0 : index
    %get3A_7 = vector.load %arg0[%get3A_4, %get3A_5, %get3A_6] : memref<2x10000x1xf32, #tpu.memory_space<vmem>>, vector<1x10000x1xf32>
    %get3A_8 = vector.shape_cast %get3A_7 : vector<1x10000x1xf32> to vector<10000x1xf32>
    %add3A = arith.addf %get3A_3, %get3A_8 : vector<10000x1xf32>
    %max3A = arith.constant 1.000000e+00 : f32
    %max3A_9 = vector.broadcast %max3A : f32 to vector<10000x1xf32>
    %max3A_10 = arith.maximumf %add3A, %max3A_9 : vector<10000x1xf32>
    %rsqrt3A = math.rsqrt %max3A_10 : vector<10000x1xf32>
    %gt3A = arith.constant 0.000000e+00 : f32
    %gt3A_11 = vector.broadcast %gt3A : f32 to vector<10000x1xf32>
    %gt3A_12 = arith.cmpf ogt, %add3A, %gt3A_11 : vector<10000x1xf32>
    %jit3A = arith.constant 0.000000e+00 : f32
    %broadcast_in_dim3A = vector.broadcast %jit3A : f32 to vector<10000x1xf32>
    %select_n3A = arith.select %gt3A_12, %rsqrt3A, %broadcast_in_dim3A : vector<10000x1xi1>, vector<10000x1xf32>
    %get3A_13 = arith.constant 0 : index
    %get3A_14 = arith.constant 0 : index
    %get3A_15 = arith.constant 0 : index
    %get3A_16 = vector.load %arg1[%get3A_13, %get3A_14, %get3A_15] : memref<2x10240x128xf32, #tpu.memory_space<vmem>>, vector<1x10240x128xf32>
    %get3A_17 = vector.shape_cast %get3A_16 : vector<1x10240x128xf32> to vector<10240x128xf32>
    %slice3A = vector.extract_strided_slice %get3A_17 {offsets = [0, 0], sizes = [10000, 128], strides = [1, 1]} : vector<10240x128xf32> to vector<10000x128xf32>
    %get3A_18 = arith.constant 1 : index
    %get3A_19 = arith.constant 0 : index
    %get3A_20 = arith.constant 0 : index
    %get3A_21 = vector.load %arg1[%get3A_18, %get3A_19, %get3A_20] : memref<2x10240x128xf32, #tpu.memory_space<vmem>>, vector<1x10240x128xf32>
    %get3A_22 = vector.shape_cast %get3A_21 : vector<1x10240x128xf32> to vector<10240x128xf32>
    %slice3A_23 = vector.extract_strided_slice %get3A_22 {offsets = [0, 0], sizes = [10000, 128], strides = [1, 1]} : vector<10240x128xf32> to vector<10000x128xf32>
    %add3A_24 = arith.addf %slice3A, %slice3A_23 : vector<10000x128xf32>
    %mul3A = vector.broadcast %select_n3A : vector<10000x1xf32> to vector<10000x128xf32>
    %mul3A_25 = arith.mulf %add3A_24, %mul3A : vector<10000x128xf32>
    %get3A_26 = arith.constant 0 : index
    %get3A_27 = arith.constant 0 : index
    %get3A_28 = vector.load %arg2[%get3A_26, %get3A_27] : memref<128x128xf32, #tpu.memory_space<vmem>>, vector<128x128xf32>
    %dot_general3A = arith.constant dense<0.000000e+00> : vector<10000x128xf32>
    %dot_general3A_29 = tpu.matmul %mul3A_25, %get3A_28, %dot_general3A {dimension_numbers = #tpu.dot_dimension_numbers<[1], [0], [0], [1], [0, 0, 1, 1], [], []>, transpose_lhs_hint = false} : vector<10000x128xf32>, vector<128x128xf32>, vector<10000x128xf32> -> vector<10000x128xf32>
    %get3A_30 = arith.constant 0 : index
    %get3A_31 = arith.constant 0 : index
    %get3A_32 = vector.load %arg3[%get3A_30, %get3A_31] : memref<1x128xf32, #tpu.memory_space<vmem>>, vector<1x128xf32>
    %add3A_33 = vector.broadcast %get3A_32 : vector<1x128xf32> to vector<10000x128xf32>
    %add3A_34 = arith.addf %dot_general3A_29, %add3A_33 : vector<10000x128xf32>
    %max3A_35 = arith.constant 0.000000e+00 : f32
    %max3A_36 = vector.broadcast %max3A_35 : f32 to vector<10000x128xf32>
    %max3A_37 = arith.maximumf %add3A_34, %max3A_36 : vector<10000x128xf32>
    %mul3A_38 = vector.broadcast %select_n3A : vector<10000x1xf32> to vector<10000x128xf32>
    %mul3A_39 = arith.mulf %max3A_37, %mul3A_38 : vector<10000x128xf32>
    %swap3A = arith.constant 0 : index
    %swap3A_40 = arith.constant 0 : index
    %swap3A_41 = vector.load %arg4[%swap3A, %swap3A_40] : memref<10000x128xf32, #tpu.memory_space<vmem>>, vector<10000x128xf32>
    tpu.vector_store %arg4[%swap3A, %swap3A_40], %mul3A_39 {strides = array<i32>} : memref<10000x128xf32, #tpu.memory_space<vmem>>, vector<10000x128xf32>,
    return
  }
}

module attributes {stable_mosaic.version = 14 : i64} {
  func.func @_fin_body(%arg0: memref<2x10000x1xf32, #tpu.memory_space<vmem>>, %arg1: memref<2x10240x128xf32, #tpu.memory_space<vmem>>, %arg2: memref<128x128xf32, #tpu.memory_space<vmem>>, %arg3: memref<1x128xf32, #tpu.memory_space<vmem>>, %arg4: memref<10000x128xf32, #tpu.memory_space<vmem>>, %arg5: memref<1x128xf32, #tpu.memory_space<vmem>>) attributes {dimension_semantics = [], scalar_prefetch = 0 : i64, scratch_operands = 0 : i64, tpu.core_type = #tpu.core_type<tc>} {
    %get3A = arith.constant 0 : index
    %get3A_0 = arith.constant 0 : index
    %get3A_1 = arith.constant 0 : index
    %get3A_2 = vector.load %arg0[%get3A, %get3A_0, %get3A_1] : memref<2x10000x1xf32, #tpu.memory_space<vmem>>, vector<1x10000x1xf32>
    %get3A_3 = vector.shape_cast %get3A_2 : vector<1x10000x1xf32> to vector<10000x1xf32>
    %get3A_4 = arith.constant 1 : index
    %get3A_5 = arith.constant 0 : index
    %get3A_6 = arith.constant 0 : index
    %get3A_7 = vector.load %arg0[%get3A_4, %get3A_5, %get3A_6] : memref<2x10000x1xf32, #tpu.memory_space<vmem>>, vector<1x10000x1xf32>
    %get3A_8 = vector.shape_cast %get3A_7 : vector<1x10000x1xf32> to vector<10000x1xf32>
    %add3A = arith.addf %get3A_3, %get3A_8 : vector<10000x1xf32>
    %max3A = arith.constant 1.000000e+00 : f32
    %max3A_9 = vector.broadcast %max3A : f32 to vector<10000x1xf32>
    %max3A_10 = arith.maximumf %add3A, %max3A_9 : vector<10000x1xf32>
    %rsqrt3A = math.rsqrt %max3A_10 : vector<10000x1xf32>
    %gt3A = arith.constant 0.000000e+00 : f32
    %gt3A_11 = vector.broadcast %gt3A : f32 to vector<10000x1xf32>
    %gt3A_12 = arith.cmpf ogt, %add3A, %gt3A_11 : vector<10000x1xf32>
    %jit3A = arith.constant 0.000000e+00 : f32
    %broadcast_in_dim3A = vector.broadcast %jit3A : f32 to vector<10000x1xf32>
    %select_n3A = arith.select %gt3A_12, %rsqrt3A, %broadcast_in_dim3A : vector<10000x1xi1>, vector<10000x1xf32>
    %get3A_13 = arith.constant 0 : index
    %get3A_14 = arith.constant 0 : index
    %get3A_15 = arith.constant 0 : index
    %get3A_16 = vector.load %arg1[%get3A_13, %get3A_14, %get3A_15] : memref<2x10240x128xf32, #tpu.memory_space<vmem>>, vector<1x10240x128xf32>
    %get3A_17 = vector.shape_cast %get3A_16 : vector<1x10240x128xf32> to vector<10240x128xf32>
    %slice3A = vector.extract_strided_slice %get3A_17 {offsets = [0, 0], sizes = [10000, 128], strides = [1, 1]} : vector<10240x128xf32> to vector<10000x128xf32>
    %get3A_18 = arith.constant 1 : index
    %get3A_19 = arith.constant 0 : index
    %get3A_20 = arith.constant 0 : index
    %get3A_21 = vector.load %arg1[%get3A_18, %get3A_19, %get3A_20] : memref<2x10240x128xf32, #tpu.memory_space<vmem>>, vector<1x10240x128xf32>
    %get3A_22 = vector.shape_cast %get3A_21 : vector<1x10240x128xf32> to vector<10240x128xf32>
    %slice3A_23 = vector.extract_strided_slice %get3A_22 {offsets = [0, 0], sizes = [10000, 128], strides = [1, 1]} : vector<10240x128xf32> to vector<10000x128xf32>
    %add3A_24 = arith.addf %slice3A, %slice3A_23 : vector<10000x128xf32>
    %mul3A = vector.broadcast %select_n3A : vector<10000x1xf32> to vector<10000x128xf32>
    %mul3A_25 = arith.mulf %add3A_24, %mul3A : vector<10000x128xf32>
    %get3A_26 = arith.constant 0 : index
    %get3A_27 = arith.constant 0 : index
    %get3A_28 = vector.load %arg2[%get3A_26, %get3A_27] : memref<128x128xf32, #tpu.memory_space<vmem>>, vector<128x128xf32>
    %dot_general3A = arith.constant dense<0.000000e+00> : vector<10000x128xf32>
    %dot_general3A_29 = tpu.matmul %mul3A_25, %get3A_28, %dot_general3A {dimension_numbers = #tpu.dot_dimension_numbers<[1], [0], [0], [1], [0, 0, 1, 1], [], []>, transpose_lhs_hint = false} : vector<10000x128xf32>, vector<128x128xf32>, vector<10000x128xf32> -> vector<10000x128xf32>
    %get3A_30 = arith.constant 0 : index
    %get3A_31 = arith.constant 0 : index
    %get3A_32 = vector.load %arg3[%get3A_30, %get3A_31] : memref<1x128xf32, #tpu.memory_space<vmem>>, vector<1x128xf32>
    %add3A_33 = vector.broadcast %get3A_32 : vector<1x128xf32> to vector<10000x128xf32>
    %add3A_34 = arith.addf %dot_general3A_29, %add3A_33 : vector<10000x128xf32>
    %swap3A = arith.constant 0 : index
    %swap3A_35 = arith.constant 0 : index
    %swap3A_36 = vector.load %arg4[%swap3A, %swap3A_35] : memref<10000x128xf32, #tpu.memory_space<vmem>>, vector<10000x128xf32>
    tpu.vector_store %arg4[%swap3A, %swap3A_35], %add3A_34 {strides = array<i32>} : memref<10000x128xf32, #tpu.memory_space<vmem>>, vector<10000x128xf32>,
    %reduce_sum3A = arith.constant dense<0.000000e+00> : vector<128xf32>
    %reduce_sum3A_37 = vector.multi_reduction <add>, %add3A_34, %reduce_sum3A [0] : vector<10000x128xf32> to vector<128xf32>
    %broadcast_in_dim3A_38 = vector.shape_cast %reduce_sum3A_37 : vector<128xf32> to vector<1x128xf32>
    %div3A = arith.constant 1.000000e+04 : f32
    %div3A_39 = vector.broadcast %div3A : f32 to vector<1x128xf32>
    %div3A_40 = arith.divf %broadcast_in_dim3A_38, %div3A_39 : vector<1x128xf32>
    %swap3A_41 = arith.constant 0 : index
    %swap3A_42 = arith.constant 0 : index
    %swap3A_43 = vector.load %arg5[%swap3A_41, %swap3A_42] : memref<1x128xf32, #tpu.memory_space<vmem>>, vector<1x128xf32>
    tpu.vector_store %arg5[%swap3A_41, %swap3A_42], %div3A_40 {strides = array<i32>} : memref<1x128xf32, #tpu.memory_space<vmem>>, vector<1x128xf32>,
    return
  }
}

</mosaic_0001>

<sc_bundles>
// kernel: kernel.11.cloned.1.call-start
scs
__scs_entry_jumppad:
0x0: {  	(pc) =	sbr.rel $0x88, $3  }
0x1: {  	(tag) =	ssettag $0x0;
	lr =	simm.s32 $0x1  }
0x2: {  	[smem:$0x3F9B] =	sst lr;
	_ =	strace $0xD0000000  }
0x3: {  	_ = 	snop  }
0x4: {  	_ = 	snop  }
0x5: {  	_ = 	snop  }
0x6: {  	_ = 	snop  }
0x7: {  	_ = 	snop  }
__scs_overlays_trampoline_lowered:
0x8: {  	[smem:$0x3FAA] =	sst s0  }
0x9: {  	[smem:$0x3FAB] =	sst s1  }
0xa: {  	[smem:$0x3FAC] =	sst s2  }
0xb: {  	[smem:$0x3FAD] =	sst s3  }
0xc: {  	[smem:$0x3FAE] =	sst s4  }
0xd: {  	[smem:$0x3FAF] =	sst s5  }
0xe: {  	[smem:$0x3FB0] =	sst s6  }
0xf: {  	[smem:$0x3FB1] =	sst s7  }
0x10: {  	[smem:$0x3FB2] =	sst s8  }
0x11: {  	[smem:$0x3FB3] =	sst s9;
	s0 =	simm.s32 @!p0 $0x0  }
0x12: {  	s1 =	sld [smem:$0x3F99];
	s0 =	simm.s32 @p0 $0x1  }
0x13: {  	[smem:$0x3FB4] =	sst s0;
	s0 =	simm.s32 @!p1 $0x0  }
0x14: {  	s2 =	sld [smem:$0x3F98];
	s0 =	simm.s32 @p1 $0x1  }
0x15: {  	[smem:$0x3FB5] =	sst s0;
	s0 =	simm.s32 @!p2 $0x0  }
0x16: {  	s3 =	sld [smem:$0x3FDB];
	s0 =	simm.s32 @p2 $0x1  }
0x17: {  	s4 =	simm.s32 $0x1BF5;
	[smem:$0x3FB7] =	sst s0  }
0x18: {  	s0 =	sld [smem:$0x3F9A];
	_ =	swait.ge [sflag:s4], $0x0  }
0x19: {  	s7 =	sld [smem:$0x3F9B]  }
0x1a: {  	s8 =	sadd.s32 $0xFFFFE003, lr  }
0x1b: {  	s9 =	sadd.s32 $0xFFFFFEF7, lr;
	s5 =	simm.s32 $0xFFFFFFFF;
	p2 =	slt.u32 s8, $0xFFFFF086  }
0x1c: {  	p1 =	slt.u32 s9, $0xF7A;
	s5 =	simm.s32 @!p2 $0x0  }
0x1d: {  	s5 =	simm.s32 @p1 $0x1;
	p0 =	seq.s32 s7, s2  }
0x1e: {  	s7 =	smul.u32 @!p0 $0xF7A, s2;
	p2 =	seq.s32 @!p0 s5, $0x0  }
0x1f: {  	s9 =	smul.u32 $0xF7A, s1;
	s8 =	simm.s32 @!p0 $0x1BF5;
	p2 =	por !p2, p0  }
0x20: {  	[sflag:s8] =	ssyncset.s32 @!p0 $0xFFFFF086;
	s6 =	sadd.s32 @!p0 s3, s7;
	s7 =	simm.s32 @!p0 $0x108  }
0x21: {  	s3 =	sadd.s32 s3, s9;
	s6 =	sadd.s32 @!p0 $0x88, s6;
	s7 =	simm.s32 @p2 $0x1082  }
0x22: {  	[simem:s7], [sflag:s8] =	dma.local @!p0 [hbm:s6], $0xF7A  }
0x23: {  	s9 =	sor.u32 $0xD0000000, s2;
	s6 =	simm.s32 $0x108;
	_ =	swait.ge @!p0 [sflag:s8], $0x0  }
0x24: {  	s3 =	sadd.s32 $0x88, s3;
	s6 =	simm.s32 @!p1 $0x1082;
	[sflag:s4] =	ssyncset.s32 $0xFFFFF086  }
0x25: {  	[simem:s6], [sflag:s4] =	dma.local [hbm:s3], $0xF7A  }
0x26: {  	[smem:$0x3F9B] =	sst s1;
	(tag) =	ssettag s2;
	_ =	strace s9  }
0x27: {  	s1 =	sld [smem:$0x3FAB]  }
0x28: {  	s2 =	sld [smem:$0x3FAC]  }
0x29: {  	s4 =	sld [smem:$0x3FAE]  }
0x2a: {  	p0 =	seq.s32 s5, $0x0;
	s5 =	sld [smem:$0x3FAF]  }
0x2b: {  	s6 =	sld [smem:$0x3FB0]  }
0x2c: {  	s7 =	sld [smem:$0x3FB1]  }
0x2d: {  	s3 =	simm.s32 $0x108;
	s8 =	sld [smem:$0x3FB2]  }
0x2e: {  	s3 =	simm.s32 @!p0 $0x1082;
	s9 =	sld [smem:$0x3FB3]  }
0x2f: {  	lr =	sadd.s32 s0, s3;
	s0 =	sld [smem:$0x3FAA]  }
0x30: {  	s3 =	sld [smem:$0x3FAD]  }
0x31: {  	[smem:$0x3FB6] =	sst s10  }
0x32: {  	s10 =	sld [smem:$0x3FB4];
	_ =	sdelay $0x3  }
0x33: {  	p0 =	seq.s32 s10, $0x1;
	s10 =	sld [smem:$0x3FB6];
	_ =	sdelay $0x3  }
0x34: {  	[smem:$0x3FB6] =	sst s10  }
0x35: {  	s10 =	sld [smem:$0x3FB5];
	_ =	sdelay $0x3  }
0x36: {  	p1 =	seq.s32 s10, $0x1;
	s10 =	sld [smem:$0x3FB6];
	_ =	sdelay $0x3  }
0x37: {  	[smem:$0x3FB6] =	sst s10  }
0x38: {  	s10 =	sld [smem:$0x3FB7]  }
0x39: {  	_ = 	snop;
	(pc) =	sbr.ind lr, $3  }
0x3a: {  	_ = 	snop  }
0x3b: {  	_ = 	snop  }
0x3c: {  	p2 =	seq.s32 s10, $0x1;
	s10 =	sld [smem:$0x3FB6]  }
0x3d: {  	_ =	shalt  }
0x3e: {  	_ =	shalt  }
0x3f: {  	_ =	shalt  }
0x40: {  	_ =	shalt  }
0x41: {  	_ =	shalt  }
0x42: {  	_ =	shalt  }
0x43: {  	_ =	shalt  }
0x44: {  	_ =	shalt  }
0x45: {  	_ =	shalt  }
0x46: {  	_ =	shalt  }
0x47: {  	_ =	shalt  }
0x48: {  	_ =	shalt  }
0x49: {  	_ =	shalt  }
0x4a: {  	_ =	shalt  }
0x4b: {  	_ =	shalt  }
0x4c: {  	_ =	shalt  }
0x4d: {  	_ =	shalt  }
0x4e: {  	_ =	shalt  }
0x4f: {  	_ =	shalt  }
0x50: {  	_ =	shalt  }
0x51: {  	_ =	shalt  }
0x52: {  	_ =	shalt  }
0x53: {  	_ =	shalt  }
0x54: {  	_ =	shalt  }
0x55: {  	_ =	shalt  }
0x56: {  	_ =	shalt  }
0x57: {  	_ =	shalt  }
0x58: {  	_ =	shalt  }
0x59: {  	_ =	shalt  }
0x5a: {  	_ =	shalt  }
0x5b: {  	_ =	shalt  }
0x5c: {  	_ =	shalt  }
0x5d: {  	_ =	shalt  }
0x5e: {  	_ =	shalt  }
0x5f: {  	_ =	shalt  }
0x60: {  	_ =	shalt  }
0x61: {  	_ =	shalt  }
0x62: {  	_ =	shalt  }
0x63: {  	_ =	shalt  }
0x64: {  	_ =	shalt  }
0x65: {  	_ =	shalt  }
0x66: {  	_ =	shalt  }
0x67: {  	_ =	shalt  }
0x68: {  	_ =	shalt  }
0x69: {  	_ =	shalt  }
0x6a: {  	_ =	shalt  }
0x6b: {  	_ =	shalt  }
0x6c: {  	_ =	shalt  }
0x6d: {  	_ =	shalt  }
0x6e: {  	_ =	shalt  }
0x6f: {  	_ =	shalt  }
0x70: {  	_ =	shalt  }
0x71: {  	_ =	shalt  }
0x72: {  	_ =	shalt  }
0x73: {  	_ =	shalt  }
0x74: {  	_ =	shalt  }
0x75: {  	_ =	shalt  }
0x76: {  	_ =	shalt  }
0x77: {  	_ =	shalt  }
0x78: {  	_ =	shalt  }
0x79: {  	_ =	shalt  }
0x7a: {  	_ =	shalt  }
0x7b: {  	_ =	shalt  }
0x7c: {  	_ =	shalt  }
0x7d: {  	_ =	shalt  }
0x7e: {  	_ =	shalt  }
0x7f: {  	_ =	shalt  }
0x80: {  	_ =	shalt  }
0x81: {  	_ =	shalt  }
0x82: {  	_ =	shalt  }
0x83: {  	_ =	shalt  }
0x84: {  	_ =	shalt  }
0x85: {  	_ =	shalt  }
0x86: {  	_ =	shalt  }
0x87: {  	_ =	shalt  }
.Lfunc_end0:
.L_simem_size_0:
called_computation.1_lowered:
.L_overlay_start_0:
0x88: {  	s2 =	sld [smem:$0x3FD9]  }
0x89: {  	s3 =	sld [smem:$0x3FFE];
	_ =	sdelay $0x1  }
0x8a: {  	s1 =	srdreg.scid  }
0x8b: {  	s0 =	sand.u32 $0x1, s1  }
0x8c: {  	s14 =	sshll.u32 s0, $0xA;
	s2 =	sadd.s32 s3, s2  }
0x8d: {  	s2 =	sadd.s32 s2, s14  }
0x8e: {  	[smem:$0x3FC2] =	sst s2  }
0x8f: {  	_ = 	snop  }
0x90: {  	s2 =	sld [smem:$0x3FD0];
	_ =	sdelay $0x2  }
0x91: {  	s15 =	simm.s32 $0xA;
	s4 =	simm.s32 $0x10  }
0x92: {  	[smem:s4], [sflag:s15] =	dma.local [hbm:s2], $0x1  }
0x93: {  	_ =	swait.eq [sflag:s15], $0x1  }
0x94: {  	[sflag:s15] =	ssyncset.done $0x0  }
0x95: {  	[sflag:s15] =	ssyncadd.s32 $0xFFFFFFFF  }
0x96: {  	s16 =	sld [smem:$0x10];
	(tm) =	ssettm $0x1  }
0x97: {  	s17 =	sld [smem:$0x3FFB];
	_ =	sdelay $0x3  }
0x98: {  	_ =	strace s17  }
0x99: {  	s3 =	sld [smem:$0x3FFC];
	_ =	sdelay $0x3  }
0x9a: {  	_ =	strace s3  }
0x9b: {  	s3 =	sld [smem:$0x3FFD];
	_ =	sdelay $0x3  }
0x9c: {  	_ =	strace s3  }
0x9d: {  	_ =	strace $0x8FFFFFFF  }
0x9e: {  	s18 =	sld [smem:$0x3FDB];
	_ =	sdelay $0x1  }
0x9f: {  	s19 =	simm.s32 $_scs_section_size  }
0xa0: {  	s5 =	simm.s32 $_size__tile_overlayer_lowered;
	s6 =	simm.s32 $_tile_overlayer_lowered  }
0xa1: {  	s22 =	simm.s32 $0x1BFF;
	s21 =	sshll.u32 s6, $0x1;
	s3 =	sadd.s32 s19, s18  }
0xa2: {  	s7 =	simm.s32 $0x0;
	s20 =	sshll.u32 s5, $0x1;
	s5 =	sadd.s32 s21, s3  }
0xa3: {  	[timem:s7], [sflag:s22] =	dma.local [hbm:s5], s20  }
0xa4: {  	_ =	swait.ge [sflag:s22], s20  }
0xa5: {  	s4 =	ssub.s32 $0x0, s20;
	[sflag:s22] =	ssyncset.done $0x0  }
0xa6: {  	[sflag:s22] =	ssyncadd.s32 s4;
	_ =	sdelay $0x1  }
0xa7: {  	s23 =	simm.s32 $0x1B8B  }
0xa8: {  	_ =	swait.ge [sflag:s23], $0x1  }
0xa9: {  	[sflag:s23] =	ssyncset.done $0x0  }
0xaa: {  	s25 =	simm.s32 $0x1B8E;
	s24 =	sld [smem:$0x3FFE];
	[sflag:s23] =	ssyncadd.s32 $0xFFFFFFFF  }
0xab: {  	s26 =	simm.s32 $execute0_lowered;
	[smem:$0x3FD2] =	sst s25  }
0xac: {  	s5 =	sshll.u32 s26, $0x1;
	_ =	strace $0x80000049;
	[dreg:$0x1] =	wrdreg $0xFFFFFFFF  }
0xad: {  	s28 =	simm.s32 $_size_execute0_lowered;
	s3 =	sadd.s32 s3, s5;
	[dreg:$0x0] =	wrdreg $0x0  }
0xae: {  	s5 =	sshll.u32 s28, $0x1;
	[dreg:$0x2] =	wrdreg s3  }
0xaf: {  	[dreg:$0x3] =	wrdreg s5  }
0xb0: {  	[dreg:$0x4] =	wrdreg $0xC0  }
0xb1: {  	_ =	task [dreg:s7], $0x5FFFF  }
0xb2: {  	[dreg:$0x1] =	wrdreg $0xFFFFFFFF  }
0xb3: {  	[dreg:$0x0] =	wrdreg $0x60  }
0xb4: {  	[dreg:$0x2] =	wrdreg s16  }
0xb5: {  	[dreg:$0x3] =	wrdreg s24  }
0xb6: {  	[dreg:$0x4] =	wrdreg $0x87A00  }
0xb7: {  	[dreg:$0x5] =	wrdreg $0x9  }
0xb8: {  	_ =	task.clear_ibuf [dreg:s7], $0x6FFFF;
	_ =	strace $0x90000049  }
0xb9: {  	s29 =	simm.s32 $0x9;
	_ =	strace $0x8000004B  }
0xba: {  	_ =	swait.ge [sflag:s29], $0x1  }
0xbb: {  	[sflag:s29] =	ssyncadd.s32 $0xFFFFFFFF  }
0xbc: {  	_ =	strace $0x9000004B  }
0xbd: {  	_ =	sfence  }
0xbe: {  	s30 =	sld [smem:$0x0];
	_ =	sdelay $0x2  }
0xbf: {  	s31 =	sshll.u32 s1, $0xD;
	s1 =	sshrl.u32 s1, $0x2  }
0xc0: {  	s3 =	sand.u32 $0x4000, s31;
	s1 =	sadd.s32 s1, s30  }
0xc1: {  	s0 =	sor.u32 s3, s0;
	s1 =	sshll.u32 s1, $0x11  }
0xc2: {  	s0 =	sor.u32 s1, s0  }
0xc3: {  	s0 =	sadd.s32 $0x8F2B, s0  }
0xc4: {  	[sflag:s0] =	ssyncadd.remote.s32 $0x1  }
0xc5: {  	_ =	sfence.sel $0xFFFF  }
0xc6: {  	[dreg:$0x0] =	wrdreg $0xFFFFFFFF;
	(pc) =	sbr.abs _section_cstart, $3  }
0xc7: {  	[dreg:$0x1] =	wrdreg $0xFFFFFFFF  }
0xc8: {  	_ =	task.clear_ibuf [dreg:s7], $0x2FFFF;
	_ =	strace $0x9FFFFFFF  }
0xc9: {  	(tm) =	ssettm $0x7FFFFFFF  }
tec
execute0_lowered:
.L_overlay_start_1:
0x0: {  	(tag) =	ssettag $0x1  }
0x1: {  	s1 =	rddreg [dreg:$0x0]  }
0x2: {  	s8 =	rddreg [dreg:$0x1]  }
0x3: {  	s3 =	rddreg [dreg:$0x2]  }
0x4: {  	s0 =	rddreg [dreg:$0x3]  }
0x5: {  	s5 =	srdreg.scid;
	s2 =	stileid.u32;
	s4 =	simm.s32 $0x0  }
0x6: {  	s14 =	simm.s32 $0x50;
	s15 =	simm.s32 $0xFA0;
	s16 =	simm.s32 $0x37A0  }
0x7: {  	s17 =	simm.s32 $0xA0;
	s18 =	simm.s32 $0x5FA0;
	s19 =	simm.s32 $0x3  }
0x8: {  	s20 =	simm.s32 $0x2;
	s21 =	simm.s32 $0x1;
	s9 =	sand.u32 $0x1, s5  }
0x9: {  	s10 =	smul.u32 $0x14000, s2;
	[smem:$0x7FF] =	sst s4;
	s5 =	sadd.s32 $0x1A00, s8  }
0xa: {  	s6 =	sadd.s32 $0xB800, s8;
	s13 =	sshll.u32 s2, $0x1;
	s30 =	sshll.u32 s2, $0x6  }
0xb: {  	s7 =	smul.u32 $0x140000, s9;
	_ =	strace $0x8000004A;
	s12 =	ssub.s32 $0x2, s9  }
.Ltmp0:
0xc: {  	s9 =	sor.u32 s9, s13;
	s13 =	simm.s32 $0x4;
	(pc) =	sbr.rel .LBB2_1-.Ltmp0, $4  }
0xd: {  	s29 =	sshrl.u32 s12, $0x1;
	s31 =	sadd.s32 s10, s3;
	s11 =	sadd.s32 s10, s7  }
0xe: {  	s9 =	smul.u32 $0x2710, s9;
	s7 =	sadd.s32 $0x15600, s8;
	s11 =	sshrl.u32 s11, $0x3  }
0xf: {  	s12 =	ssub.s32 s12, s29;
	s11 =	sadd.s32 s11, s8;
	s8 =	sor.u32 $0x1C04, s30  }
0x10: {  	s10 =	sadd.s32 $0x17E00, s11;
	s11 =	smax.u32 s12, $0x1;
	s12 =	sshrl.u32 s31, $0x3  }
.LBB2_10:
0x11: {  	s4 =	sadd.s32 $0x1, s4  }
0x12: {  	p0 =	sne.s32 s4, s11  }
.Ltmp1:
0x13: {  	[bflag:$0x0] =	sbarrier.arrive $0xFFFF;
	(pc) =	sbr.rel @!p0 .LBB2_11-.Ltmp1, $4  }
0x14: {  	[hbm:s10], [sflag:s8] =	dma.local [spmem:s12], $0x2800  }
0x15: {  	_ =	swait.ge [sflag:s13], $0x2800  }
0x16: {  	[sflag:s13] =	ssyncset.done $0x0  }
0x17: {  	[sflag:s13] =	ssyncadd.s32 $0xFFFFD800  }
.LBB2_1:
0x18: {  	[spmem:s12], [sflag:s8] =	dma.local [hbm:s7], $0x2800  }
.Ltmp2:
0x19: {  	_ =	swait.ge [sflag:s13], $0x2800;
	(pc) =	sbr.rel .LBB2_2-.Ltmp2, $4  }
0x1a: {  	[sflag:s13] =	ssyncset.done $0x0  }
0x1b: {  	[sflag:s13] =	ssyncadd.s32 $0xFFFFD800  }
0x1c: {  	[bflag:$0x0] =	sbarrier.arrive $0xFFFF  }
0x1d: {  	s22 =	simm.s32 $0x0  }
.LBB2_9:
0x1e: {  	s22 =	sadd.s32 $0x1, s22  }
0x1f: {  	p0 =	sne.s32 s22, $0x5  }
.Ltmp3:
0x20: {  	_ = 	snop;
	(pc) =	sbr.rel @!p0 .LBB2_10-.Ltmp3, $1  }
0x21: {  	_ =	sdelay $0x3  }
.LBB2_2:
0x22: {  	s23 =	smul.u32 $0x7D0, s22;
	_ =	sdelay $0x1  }
0x23: {  	s23 =	sadd.s32 s9, s23  }
0x24: {  	s24 =	sshrl.u32 s23, $0x3  }
0x25: {  	s23 =	simm.s32 $0x0;
	s25 =	sadd.s32 s5, s24  }
0x26: {  	[tilespmem:s23], [sflag:$0x4] =	stream.linear.gather [hbm4b:s25+s23], $0x7D0, $0x38;
	[tilespmem:$0x1C7A0] =	vst v63  }
0x27: {  	_ =	swait.ge [sflag:s13], $0x7D0  }
0x28: {  	[sflag:s13] =	ssyncset.done $0x0  }
0x29: {  	s31 =	sadd.s32 s6, s24;
	s24 =	simm.s32 $0x7D0;
	[sflag:s13] =	ssyncadd.s32 $0xFFFFF830  }
0x2a: {  	[tilespmem:s24], [sflag:$0x4] =	stream.linear.gather [hbm4b:s31+s23], $0x7D0, $0x38;
	[tilespmem:$0x1C7A0] =	vst v63  }
0x2b: {  	_ =	swait.ge [sflag:s13], $0x7D0  }
0x2c: {  	[sflag:s13] =	ssyncset.done $0x0  }
0x2d: {  	[sflag:s13] =	ssyncadd.s32 $0xFFFFF830  }
0x2e: {  	[tilespmem:s15], [sflag:$0x1] =	stream.indirect.gather [hbm4b:s1+s14], $0x80, s23, s14, $0xb8;
	[tilespmem:$0x1C7A0] =	vst v63  }
.Ltmp4:
0x2f: {  	_ = 	snop;
	(pc) =	sbr.rel .LBB2_3-.Ltmp4, $4  }
0x30: {  	_ = 	snop  }
0x31: {  	[tilespmem:s16], [sflag:$0x2] =	stream.indirect.gather [hbm4b:s1+s14], $0x80, s14, s14, $0xb8;
	[tilespmem:$0x1C7A0] =	vst v63  }
0x32: {  	s25 =	simm.s32 $0xF0  }
0x33: {  	[tilespmem:s18], [sflag:$0x3] =	stream.indirect.gather [hbm4b:s1+s14], $0x80, s17, s14, $0xb8;
	[tilespmem:$0x1C7A0] =	vst v63  }
.LBB2_7:
0x34: {  	_ =	swait.ge [sflag:s19], $0x2800  }
0x35: {  	[sflag:s19] =	ssyncset.done $0x0  }
0x36: {  	[sflag:s19] =	ssyncadd.s32 $0xFFFFD800  }
0x37: {  	[spmem:s3] =	stream.indirect.scatter.add.f32 [tilespmem:s18], [sflag:$0x4], $0x80, s24, s14, $0xb8;
	[tilespmem:$0x1C7A0] =	vst v63  }
0x38: {  	_ =	swait.ge [sflag:s13], $0x2800  }
0x39: {  	p0 =	sgt.u32 s23, $0x15;
	[sflag:s13] =	ssyncset.done $0x0  }
0x3a: {  	s26 =	simm.s32 @!p0 $0x50;
	s28 =	simm.s32 @!p0 $0x5FA0;
	[sflag:s13] =	ssyncadd.s32 $0xFFFFD800  }
0x3b: {  	[tilespmem:s28], [sflag:$0x3] =	stream.indirect.gather @!p0 [hbm4b:s1+s26], $0x80, s25, s26, $0xb8;
	[tilespmem:$0x1C7A0] =	vst v63  }
.LBB2_8:
0x3c: {  	s23 =	sadd.s32 $0x1, s23  }
0x3d: {  	p0 =	sne.s32 s23, $0x19  }
.Ltmp5:
0x3e: {  	_ = 	snop;
	(pc) =	sbr.rel @!p0 .LBB2_9-.Ltmp5, $2  }
0x3f: {  	_ =	sdelay $0x2  }
0x40: {  	s25 =	sadd.s32 $0x50, s25;
	s24 =	sadd.s32 $0x50, s24  }
.LBB2_3:
0x41: {  	s26 =	smul.u32 $0xAB, s23;
	_ =	sdelay $0x1  }
0x42: {  	s26 =	sshrl.u32 s26, $0x9  }
0x43: {  	s26 =	sand.u32 $0x7F, s26  }
0x44: {  	s26 =	smul.u32 $0x3, s26;
	_ =	sdelay $0x1  }
0x45: {  	s26 =	ssub.s32 s23, s26  }
0x46: {  	s26 =	sand.u32 $0xFF, s26  }
0x47: {  	p0 =	seq.s32 s26, $0x2  }
.Ltmp6:
0x48: {  	_ = 	snop;
	(pc) =	sbr.rel @p0 .LBB2_7-.Ltmp6, $1  }
0x49: {  	_ =	sdelay $0x3  }
0x4a: {  	p0 =	seq.s32 s26, $0x1  }
.Ltmp7:
0x4b: {  	_ = 	snop;
	(pc) =	sbr.rel @!p0 .LBB2_5-.Ltmp7, $1  }
0x4c: {  	_ =	sdelay $0x3  }
0x4d: {  	_ =	swait.ge [sflag:s20], $0x2800  }
0x4e: {  	[sflag:s20] =	ssyncset.done $0x0  }
0x4f: {  	[sflag:s20] =	ssyncadd.s32 $0xFFFFD800  }
0x50: {  	[spmem:s3] =	stream.indirect.scatter.add.f32 [tilespmem:s16], [sflag:$0x4], $0x80, s24, s14, $0xb8;
	[tilespmem:$0x1C7A0] =	vst v63  }
.Ltmp8:
0x51: {  	_ = 	snop;
	(pc) =	sbr.rel .LBB2_8-.Ltmp8, $4  }
0x52: {  	_ =	swait.ge [sflag:s13], $0x2800  }
0x53: {  	p0 =	sgt.u32 s23, $0x15;
	[sflag:s13] =	ssyncset.done $0x0  }
0x54: {  	s26 =	simm.s32 @!p0 $0x50;
	s28 =	simm.s32 @!p0 $0x37A0;
	[sflag:s13] =	ssyncadd.s32 $0xFFFFD800  }
0x55: {  	[tilespmem:s28], [sflag:$0x2] =	stream.indirect.gather @!p0 [hbm4b:s1+s26], $0x80, s25, s26, $0xb8;
	[tilespmem:$0x1C7A0] =	vst v63  }
.LBB2_5:
0x56: {  	_ =	swait.ge [sflag:s21], $0x2800  }
0x57: {  	[sflag:s21] =	ssyncset.done $0x0  }
0x58: {  	[sflag:s21] =	ssyncadd.s32 $0xFFFFD800  }
0x59: {  	[spmem:s3] =	stream.indirect.scatter.add.f32 [tilespmem:s15], [sflag:$0x4], $0x80, s24, s14, $0xb8;
	[tilespmem:$0x1C7A0] =	vst v63  }
.Ltmp9:
0x5a: {  	_ = 	snop;
	(pc) =	sbr.rel .LBB2_8-.Ltmp9, $4  }
0x5b: {  	_ =	swait.ge [sflag:s13], $0x2800  }
0x5c: {  	p0 =	sgt.u32 s23, $0x15;
	[sflag:s13] =	ssyncset.done $0x0  }
0x5d: {  	s26 =	simm.s32 @!p0 $0x50;
	s28 =	simm.s32 @!p0 $0xFA0;
	[sflag:s13] =	ssyncadd.s32 $0xFFFFD800  }
0x5e: {  	[tilespmem:s28], [sflag:$0x1] =	stream.indirect.gather @!p0 [hbm4b:s1+s26], $0x80, s25, s26, $0xb8;
	[tilespmem:$0x1C7A0] =	vst v63  }
.LBB2_11:
0x5f: {  	_ =	sfence.sel $0x180000  }
0x60: {  	[bflag:$0x0] =	sbarrier.arrive $0xFFFF  }
0x61: {  	p0 =	sne.s32 s2, $0x0;
	_ =	strace $0x9000004A  }
0x62: {  	s0 =	sadd.s32 @!p0 $0x100000, s0;
	[bflag:$0x2] =	sbarrier.arrive $0xFFFF  }
0x63: {  	[sflag:s0] =	ssyncadd.tile.s32 @!p0 $0x1;
	_ =	shalt  }
.Lfunc_end2:
_tile_overlayer_lowered:
.L_overlay_start_2:
0x64: {  	(tag) =	ssettag $0x2  }
0x65: {  	s0 =	rddreg [dreg:$0x0];
	s2 =	stileid.u32  }
0x66: {  	s1 =	rddreg [dreg:$0x1];
	p0 =	sne.s32 s2, $0x0  }
0x67: {  	s3 =	rddreg [dreg:$0x2];
	[bflag:$0x3] =	sbarrier.arrive $0xFFFF;
	s2 =	simm.s32 @!p0 $0x1C04  }
0x68: {  	[timem:s3], [sflag:s2] =	dma.local @!p0 [hbm:s0], s1  }
0x69: {  	s0 =	simm.s32 @!p0 $0x4  }
0x6a: {  	_ =	swait.ge @!p0 [sflag:s0], s1  }
0x6b: {  	s1 =	ssub.s32 @!p0 $0x0, s1;
	[sflag:s0] =	ssyncset.done @!p0 $0x0  }
0x6c: {  	[sflag:s0] =	ssyncadd.s32 @!p0 s1  }
0x6d: {  	[bflag:$0x3] =	sbarrier.arrive $0xFFFF  }
0x6e: {  	_ =	shalt  }

// kernel: kernel.14.cloned.1.call-start
scs
__scs_entry_jumppad:
0x0: {  	(pc) =	sbr.rel $0x88, $3  }
0x1: {  	(tag) =	ssettag $0x0;
	lr =	simm.s32 $0x1  }
0x2: {  	[smem:$0x3F9B] =	sst lr;
	_ =	strace $0xD0000000  }
0x3: {  	_ = 	snop  }
0x4: {  	_ = 	snop  }
0x5: {  	_ = 	snop  }
0x6: {  	_ = 	snop  }
0x7: {  	_ = 	snop  }
__scs_overlays_trampoline_lowered:
0x8: {  	[smem:$0x3FAA] =	sst s0  }
0x9: {  	[smem:$0x3FAB] =	sst s1  }
0xa: {  	[smem:$0x3FAC] =	sst s2  }
0xb: {  	[smem:$0x3FAD] =	sst s3  }
0xc: {  	[smem:$0x3FAE] =	sst s4  }
0xd: {  	[smem:$0x3FAF] =	sst s5  }
0xe: {  	[smem:$0x3FB0] =	sst s6  }
0xf: {  	[smem:$0x3FB1] =	sst s7  }
0x10: {  	[smem:$0x3FB2] =	sst s8  }
0x11: {  	[smem:$0x3FB3] =	sst s9;
	s0 =	simm.s32 @!p0 $0x0  }
0x12: {  	s1 =	sld [smem:$0x3F99];
	s0 =	simm.s32 @p0 $0x1  }
0x13: {  	[smem:$0x3FB4] =	sst s0;
	s0 =	simm.s32 @!p1 $0x0  }
0x14: {  	s2 =	sld [smem:$0x3F98];
	s0 =	simm.s32 @p1 $0x1  }
0x15: {  	[smem:$0x3FB5] =	sst s0;
	s0 =	simm.s32 @!p2 $0x0  }
0x16: {  	s3 =	sld [smem:$0x3FDB];
	s0 =	simm.s32 @p2 $0x1  }
0x17: {  	s4 =	simm.s32 $0x1BF5;
	[smem:$0x3FB7] =	sst s0  }
0x18: {  	s0 =	sld [smem:$0x3F9A];
	_ =	swait.ge [sflag:s4], $0x0  }
0x19: {  	s7 =	sld [smem:$0x3F9B]  }
0x1a: {  	s8 =	sadd.s32 $0xFFFFE003, lr  }
0x1b: {  	s9 =	sadd.s32 $0xFFFFFEF7, lr;
	s5 =	simm.s32 $0xFFFFFFFF;
	p2 =	slt.u32 s8, $0xFFFFF086  }
0x1c: {  	p1 =	slt.u32 s9, $0xF7A;
	s5 =	simm.s32 @!p2 $0x0  }
0x1d: {  	s5 =	simm.s32 @p1 $0x1;
	p0 =	seq.s32 s7, s2  }
0x1e: {  	s7 =	smul.u32 @!p0 $0xF7A, s2;
	p2 =	seq.s32 @!p0 s5, $0x0  }
0x1f: {  	s9 =	smul.u32 $0xF7A, s1;
	s8 =	simm.s32 @!p0 $0x1BF5;
	p2 =	por !p2, p0  }
0x20: {  	[sflag:s8] =	ssyncset.s32 @!p0 $0xFFFFF086;
	s6 =	sadd.s32 @!p0 s3, s7;
	s7 =	simm.s32 @!p0 $0x108  }
0x21: {  	s3 =	sadd.s32 s3, s9;
	s6 =	sadd.s32 @!p0 $0x88, s6;
	s7 =	simm.s32 @p2 $0x1082  }
0x22: {  	[simem:s7], [sflag:s8] =	dma.local @!p0 [hbm:s6], $0xF7A  }
0x23: {  	s9 =	sor.u32 $0xD0000000, s2;
	s6 =	simm.s32 $0x108;
	_ =	swait.ge @!p0 [sflag:s8], $0x0  }
0x24: {  	s3 =	sadd.s32 $0x88, s3;
	s6 =	simm.s32 @!p1 $0x1082;
	[sflag:s4] =	ssyncset.s32 $0xFFFFF086  }
0x25: {  	[simem:s6], [sflag:s4] =	dma.local [hbm:s3], $0xF7A  }
0x26: {  	[smem:$0x3F9B] =	sst s1;
	(tag) =	ssettag s2;
	_ =	strace s9  }
0x27: {  	s1 =	sld [smem:$0x3FAB]  }
0x28: {  	s2 =	sld [smem:$0x3FAC]  }
0x29: {  	s4 =	sld [smem:$0x3FAE]  }
0x2a: {  	p0 =	seq.s32 s5, $0x0;
	s5 =	sld [smem:$0x3FAF]  }
0x2b: {  	s6 =	sld [smem:$0x3FB0]  }
0x2c: {  	s7 =	sld [smem:$0x3FB1]  }
0x2d: {  	s3 =	simm.s32 $0x108;
	s8 =	sld [smem:$0x3FB2]  }
0x2e: {  	s3 =	simm.s32 @!p0 $0x1082;
	s9 =	sld [smem:$0x3FB3]  }
0x2f: {  	lr =	sadd.s32 s0, s3;
	s0 =	sld [smem:$0x3FAA]  }
0x30: {  	s3 =	sld [smem:$0x3FAD]  }
0x31: {  	[smem:$0x3FB6] =	sst s10  }
0x32: {  	s10 =	sld [smem:$0x3FB4];
	_ =	sdelay $0x3  }
0x33: {  	p0 =	seq.s32 s10, $0x1;
	s10 =	sld [smem:$0x3FB6];
	_ =	sdelay $0x3  }
0x34: {  	[smem:$0x3FB6] =	sst s10  }
0x35: {  	s10 =	sld [smem:$0x3FB5];
	_ =	sdelay $0x3  }
0x36: {  	p1 =	seq.s32 s10, $0x1;
	s10 =	sld [smem:$0x3FB6];
	_ =	sdelay $0x3  }
0x37: {  	[smem:$0x3FB6] =	sst s10  }
0x38: {  	s10 =	sld [smem:$0x3FB7]  }
0x39: {  	_ = 	snop;
	(pc) =	sbr.ind lr, $3  }
0x3a: {  	_ = 	snop  }
0x3b: {  	_ = 	snop  }
0x3c: {  	p2 =	seq.s32 s10, $0x1;
	s10 =	sld [smem:$0x3FB6]  }
0x3d: {  	_ =	shalt  }
0x3e: {  	_ =	shalt  }
0x3f: {  	_ =	shalt  }
0x40: {  	_ =	shalt  }
0x41: {  	_ =	shalt  }
0x42: {  	_ =	shalt  }
0x43: {  	_ =	shalt  }
0x44: {  	_ =	shalt  }
0x45: {  	_ =	shalt  }
0x46: {  	_ =	shalt  }
0x47: {  	_ =	shalt  }
0x48: {  	_ =	shalt  }
0x49: {  	_ =	shalt  }
0x4a: {  	_ =	shalt  }
0x4b: {  	_ =	shalt  }
0x4c: {  	_ =	shalt  }
0x4d: {  	_ =	shalt  }
0x4e: {  	_ =	shalt  }
0x4f: {  	_ =	shalt  }
0x50: {  	_ =	shalt  }
0x51: {  	_ =	shalt  }
0x52: {  	_ =	shalt  }
0x53: {  	_ =	shalt  }
0x54: {  	_ =	shalt  }
0x55: {  	_ =	shalt  }
0x56: {  	_ =	shalt  }
0x57: {  	_ =	shalt  }
0x58: {  	_ =	shalt  }
0x59: {  	_ =	shalt  }
0x5a: {  	_ =	shalt  }
0x5b: {  	_ =	shalt  }
0x5c: {  	_ =	shalt  }
0x5d: {  	_ =	shalt  }
0x5e: {  	_ =	shalt  }
0x5f: {  	_ =	shalt  }
0x60: {  	_ =	shalt  }
0x61: {  	_ =	shalt  }
0x62: {  	_ =	shalt  }
0x63: {  	_ =	shalt  }
0x64: {  	_ =	shalt  }
0x65: {  	_ =	shalt  }
0x66: {  	_ =	shalt  }
0x67: {  	_ =	shalt  }
0x68: {  	_ =	shalt  }
0x69: {  	_ =	shalt  }
0x6a: {  	_ =	shalt  }
0x6b: {  	_ =	shalt  }
0x6c: {  	_ =	shalt  }
0x6d: {  	_ =	shalt  }
0x6e: {  	_ =	shalt  }
0x6f: {  	_ =	shalt  }
0x70: {  	_ =	shalt  }
0x71: {  	_ =	shalt  }
0x72: {  	_ =	shalt  }
0x73: {  	_ =	shalt  }
0x74: {  	_ =	shalt  }
0x75: {  	_ =	shalt  }
0x76: {  	_ =	shalt  }
0x77: {  	_ =	shalt  }
0x78: {  	_ =	shalt  }
0x79: {  	_ =	shalt  }
0x7a: {  	_ =	shalt  }
0x7b: {  	_ =	shalt  }
0x7c: {  	_ =	shalt  }
0x7d: {  	_ =	shalt  }
0x7e: {  	_ =	shalt  }
0x7f: {  	_ =	shalt  }
0x80: {  	_ =	shalt  }
0x81: {  	_ =	shalt  }
0x82: {  	_ =	shalt  }
0x83: {  	_ =	shalt  }
0x84: {  	_ =	shalt  }
0x85: {  	_ =	shalt  }
0x86: {  	_ =	shalt  }
0x87: {  	_ =	shalt  }
.Lfunc_end0:
.L_simem_size_0:
called_computation.2_lowered:
.L_overlay_start_0:
0x88: {  	s2 =	sld [smem:$0x3FD9]  }
0x89: {  	s3 =	sld [smem:$0x3FFE];
	_ =	sdelay $0x1  }
0x8a: {  	s1 =	srdreg.scid  }
0x8b: {  	s0 =	sand.u32 $0x1, s1  }
0x8c: {  	s14 =	sshll.u32 s0, $0xA;
	s2 =	sadd.s32 s3, s2  }
0x8d: {  	s2 =	sadd.s32 s2, s14  }
0x8e: {  	[smem:$0x3FC2] =	sst s2  }
0x8f: {  	_ = 	snop  }
0x90: {  	s2 =	sld [smem:$0x3FD0];
	_ =	sdelay $0x2  }
0x91: {  	s15 =	simm.s32 $0xA;
	s4 =	simm.s32 $0x10  }
0x92: {  	[smem:s4], [sflag:s15] =	dma.local [hbm:s2], $0x1  }
0x93: {  	_ =	swait.eq [sflag:s15], $0x1  }
0x94: {  	[sflag:s15] =	ssyncset.done $0x0  }
0x95: {  	[sflag:s15] =	ssyncadd.s32 $0xFFFFFFFF  }
0x96: {  	s16 =	sld [smem:$0x10];
	(tm) =	ssettm $0x1  }
0x97: {  	s17 =	sld [smem:$0x3FFB];
	_ =	sdelay $0x3  }
0x98: {  	_ =	strace s17  }
0x99: {  	s3 =	sld [smem:$0x3FFC];
	_ =	sdelay $0x3  }
0x9a: {  	_ =	strace s3  }
0x9b: {  	s3 =	sld [smem:$0x3FFD];
	_ =	sdelay $0x3  }
0x9c: {  	_ =	strace s3  }
0x9d: {  	_ =	strace $0x8FFFFFFF  }
0x9e: {  	s18 =	sld [smem:$0x3FDB];
	_ =	sdelay $0x1  }
0x9f: {  	s19 =	simm.s32 $_scs_section_size  }
0xa0: {  	s5 =	simm.s32 $_size__tile_overlayer_lowered;
	s6 =	simm.s32 $_tile_overlayer_lowered  }
0xa1: {  	s22 =	simm.s32 $0x1BFF;
	s21 =	sshll.u32 s6, $0x1;
	s3 =	sadd.s32 s19, s18  }
0xa2: {  	s7 =	simm.s32 $0x0;
	s20 =	sshll.u32 s5, $0x1;
	s5 =	sadd.s32 s21, s3  }
0xa3: {  	[timem:s7], [sflag:s22] =	dma.local [hbm:s5], s20  }
0xa4: {  	_ =	swait.ge [sflag:s22], s20  }
0xa5: {  	s4 =	ssub.s32 $0x0, s20;
	[sflag:s22] =	ssyncset.done $0x0  }
0xa6: {  	[sflag:s22] =	ssyncadd.s32 s4;
	_ =	sdelay $0x1  }
0xa7: {  	s23 =	simm.s32 $0x1B8B  }
0xa8: {  	_ =	swait.ge [sflag:s23], $0x1  }
0xa9: {  	[sflag:s23] =	ssyncset.done $0x0  }
0xaa: {  	s25 =	simm.s32 $0x1B8E;
	s24 =	sld [smem:$0x3FFE];
	[sflag:s23] =	ssyncadd.s32 $0xFFFFFFFF  }
0xab: {  	s26 =	simm.s32 $execute0_lowered;
	[smem:$0x3FD2] =	sst s25  }
0xac: {  	s5 =	sshll.u32 s26, $0x1;
	_ =	strace $0x8000004C;
	[dreg:$0x1] =	wrdreg $0xFFFFFFFF  }
0xad: {  	s28 =	simm.s32 $_size_execute0_lowered;
	s3 =	sadd.s32 s3, s5;
	[dreg:$0x0] =	wrdreg $0x0  }
0xae: {  	s5 =	sshll.u32 s28, $0x1;
	[dreg:$0x2] =	wrdreg s3  }
0xaf: {  	[dreg:$0x3] =	wrdreg s5  }
0xb0: {  	[dreg:$0x4] =	wrdreg $0xC0  }
0xb1: {  	_ =	task [dreg:s7], $0x5FFFF  }
0xb2: {  	[dreg:$0x1] =	wrdreg $0xFFFFFFFF  }
0xb3: {  	[dreg:$0x0] =	wrdreg $0x60  }
0xb4: {  	[dreg:$0x2] =	wrdreg s16  }
0xb5: {  	[dreg:$0x3] =	wrdreg s24  }
0xb6: {  	[dreg:$0x4] =	wrdreg $0x87A00  }
0xb7: {  	[dreg:$0x5] =	wrdreg $0x9  }
0xb8: {  	_ =	task.clear_ibuf [dreg:s7], $0x6FFFF;
	_ =	strace $0x9000004C  }
0xb9: {  	s29 =	simm.s32 $0x9;
	_ =	strace $0x8000004E  }
0xba: {  	_ =	swait.ge [sflag:s29], $0x1  }
0xbb: {  	[sflag:s29] =	ssyncadd.s32 $0xFFFFFFFF  }
0xbc: {  	_ =	strace $0x9000004E  }
0xbd: {  	_ =	sfence  }
0xbe: {  	s30 =	sld [smem:$0x0];
	_ =	sdelay $0x2  }
0xbf: {  	s31 =	sshll.u32 s1, $0xD;
	s1 =	sshrl.u32 s1, $0x2  }
0xc0: {  	s3 =	sand.u32 $0x4000, s31;
	s1 =	sadd.s32 s1, s30  }
0xc1: {  	s0 =	sor.u32 s3, s0;
	s1 =	sshll.u32 s1, $0x11  }
0xc2: {  	s0 =	sor.u32 s1, s0  }
0xc3: {  	s0 =	sadd.s32 $0x8F2B, s0  }
0xc4: {  	[sflag:s0] =	ssyncadd.remote.s32 $0x1  }
0xc5: {  	_ =	sfence.sel $0xFFFF  }
0xc6: {  	[dreg:$0x0] =	wrdreg $0xFFFFFFFF;
	(pc) =	sbr.abs _section_cstart, $3  }
0xc7: {  	[dreg:$0x1] =	wrdreg $0xFFFFFFFF  }
0xc8: {  	_ =	task.clear_ibuf [dreg:s7], $0x2FFFF;
	_ =	strace $0x9FFFFFFF  }
0xc9: {  	(tm) =	ssettm $0x7FFFFFFF  }
tec
execute0_lowered:
.L_overlay_start_1:
0x0: {  	(tag) =	ssettag $0x1  }
0x1: {  	s1 =	rddreg [dreg:$0x0]  }
0x2: {  	s8 =	rddreg [dreg:$0x1]  }
0x3: {  	s3 =	rddreg [dreg:$0x2]  }
0x4: {  	s0 =	rddreg [dreg:$0x3]  }
0x5: {  	s5 =	srdreg.scid;
	s2 =	stileid.u32;
	s4 =	simm.s32 $0x0  }
0x6: {  	s14 =	simm.s32 $0x50;
	s15 =	simm.s32 $0xFA0;
	s16 =	simm.s32 $0x37A0  }
0x7: {  	s17 =	simm.s32 $0xA0;
	s18 =	simm.s32 $0x5FA0;
	s19 =	simm.s32 $0x3  }
0x8: {  	s20 =	simm.s32 $0x2;
	s21 =	simm.s32 $0x1;
	s9 =	sand.u32 $0x1, s5  }
0x9: {  	s10 =	smul.u32 $0x14000, s2;
	[smem:$0x7FF] =	sst s4;
	s5 =	sadd.s32 $0x1A00, s8  }
0xa: {  	s6 =	sadd.s32 $0xB800, s8;
	s13 =	sshll.u32 s2, $0x1;
	s30 =	sshll.u32 s2, $0x6  }
0xb: {  	s7 =	smul.u32 $0x140000, s9;
	_ =	strace $0x8000004D;
	s12 =	ssub.s32 $0x2, s9  }
.Ltmp0:
0xc: {  	s9 =	sor.u32 s9, s13;
	s13 =	simm.s32 $0x4;
	(pc) =	sbr.rel .LBB2_1-.Ltmp0, $4  }
0xd: {  	s29 =	sshrl.u32 s12, $0x1;
	s31 =	sadd.s32 s10, s3;
	s11 =	sadd.s32 s10, s7  }
0xe: {  	s9 =	smul.u32 $0x2710, s9;
	s7 =	sadd.s32 $0x15600, s8;
	s11 =	sshrl.u32 s11, $0x3  }
0xf: {  	s12 =	ssub.s32 s12, s29;
	s11 =	sadd.s32 s11, s8;
	s8 =	sor.u32 $0x1C04, s30  }
0x10: {  	s10 =	sadd.s32 $0x17E00, s11;
	s11 =	smax.u32 s12, $0x1;
	s12 =	sshrl.u32 s31, $0x3  }
.LBB2_10:
0x11: {  	s4 =	sadd.s32 $0x1, s4  }
0x12: {  	p0 =	sne.s32 s4, s11  }
.Ltmp1:
0x13: {  	[bflag:$0x0] =	sbarrier.arrive $0xFFFF;
	(pc) =	sbr.rel @!p0 .LBB2_11-.Ltmp1, $4  }
0x14: {  	[hbm:s10], [sflag:s8] =	dma.local [spmem:s12], $0x2800  }
0x15: {  	_ =	swait.ge [sflag:s13], $0x2800  }
0x16: {  	[sflag:s13] =	ssyncset.done $0x0  }
0x17: {  	[sflag:s13] =	ssyncadd.s32 $0xFFFFD800  }
.LBB2_1:
0x18: {  	[spmem:s12], [sflag:s8] =	dma.local [hbm:s7], $0x2800  }
.Ltmp2:
0x19: {  	_ =	swait.ge [sflag:s13], $0x2800;
	(pc) =	sbr.rel .LBB2_2-.Ltmp2, $4  }
0x1a: {  	[sflag:s13] =	ssyncset.done $0x0  }
0x1b: {  	[sflag:s13] =	ssyncadd.s32 $0xFFFFD800  }
0x1c: {  	[bflag:$0x0] =	sbarrier.arrive $0xFFFF  }
0x1d: {  	s22 =	simm.s32 $0x0  }
.LBB2_9:
0x1e: {  	s22 =	sadd.s32 $0x1, s22  }
0x1f: {  	p0 =	sne.s32 s22, $0x5  }
.Ltmp3:
0x20: {  	_ = 	snop;
	(pc) =	sbr.rel @!p0 .LBB2_10-.Ltmp3, $1  }
0x21: {  	_ =	sdelay $0x3  }
.LBB2_2:
0x22: {  	s23 =	smul.u32 $0x7D0, s22;
	_ =	sdelay $0x1  }
0x23: {  	s23 =	sadd.s32 s9, s23  }
0x24: {  	s24 =	sshrl.u32 s23, $0x3  }
0x25: {  	s23 =	simm.s32 $0x0;
	s25 =	sadd.s32 s5, s24  }
0x26: {  	[tilespmem:s23], [sflag:$0x4] =	stream.linear.gather [hbm4b:s25+s23], $0x7D0, $0x38;
	[tilespmem:$0x1C7A0] =	vst v63  }
0x27: {  	_ =	swait.ge [sflag:s13], $0x7D0  }
0x28: {  	[sflag:s13] =	ssyncset.done $0x0  }
0x29: {  	s31 =	sadd.s32 s6, s24;
	s24 =	simm.s32 $0x7D0;
	[sflag:s13] =	ssyncadd.s32 $0xFFFFF830  }
0x2a: {  	[tilespmem:s24], [sflag:$0x4] =	stream.linear.gather [hbm4b:s31+s23], $0x7D0, $0x38;
	[tilespmem:$0x1C7A0] =	vst v63  }
0x2b: {  	_ =	swait.ge [sflag:s13], $0x7D0  }
0x2c: {  	[sflag:s13] =	ssyncset.done $0x0  }
0x2d: {  	[sflag:s13] =	ssyncadd.s32 $0xFFFFF830  }
0x2e: {  	[tilespmem:s15], [sflag:$0x1] =	stream.indirect.gather [hbm4b:s1+s14], $0x80, s23, s14, $0xb8;
	[tilespmem:$0x1C7A0] =	vst v63  }
.Ltmp4:
0x2f: {  	_ = 	snop;
	(pc) =	sbr.rel .LBB2_3-.Ltmp4, $4  }
0x30: {  	_ = 	snop  }
0x31: {  	[tilespmem:s16], [sflag:$0x2] =	stream.indirect.gather [hbm4b:s1+s14], $0x80, s14, s14, $0xb8;
	[tilespmem:$0x1C7A0] =	vst v63  }
0x32: {  	s25 =	simm.s32 $0xF0  }
0x33: {  	[tilespmem:s18], [sflag:$0x3] =	stream.indirect.gather [hbm4b:s1+s14], $0x80, s17, s14, $0xb8;
	[tilespmem:$0x1C7A0] =	vst v63  }
.LBB2_7:
0x34: {  	_ =	swait.ge [sflag:s19], $0x2800  }
0x35: {  	[sflag:s19] =	ssyncset.done $0x0  }
0x36: {  	[sflag:s19] =	ssyncadd.s32 $0xFFFFD800  }
0x37: {  	[spmem:s3] =	stream.indirect.scatter.add.f32 [tilespmem:s18], [sflag:$0x4], $0x80, s24, s14, $0xb8;
	[tilespmem:$0x1C7A0] =	vst v63  }
0x38: {  	_ =	swait.ge [sflag:s13], $0x2800  }
0x39: {  	p0 =	sgt.u32 s23, $0x15;
	[sflag:s13] =	ssyncset.done $0x0  }
0x3a: {  	s26 =	simm.s32 @!p0 $0x50;
	s28 =	simm.s32 @!p0 $0x5FA0;
	[sflag:s13] =	ssyncadd.s32 $0xFFFFD800  }
0x3b: {  	[tilespmem:s28], [sflag:$0x3] =	stream.indirect.gather @!p0 [hbm4b:s1+s26], $0x80, s25, s26, $0xb8;
	[tilespmem:$0x1C7A0] =	vst v63  }
.LBB2_8:
0x3c: {  	s23 =	sadd.s32 $0x1, s23  }
0x3d: {  	p0 =	sne.s32 s23, $0x19  }
.Ltmp5:
0x3e: {  	_ = 	snop;
	(pc) =	sbr.rel @!p0 .LBB2_9-.Ltmp5, $2  }
0x3f: {  	_ =	sdelay $0x2  }
0x40: {  	s25 =	sadd.s32 $0x50, s25;
	s24 =	sadd.s32 $0x50, s24  }
.LBB2_3:
0x41: {  	s26 =	smul.u32 $0xAB, s23;
	_ =	sdelay $0x1  }
0x42: {  	s26 =	sshrl.u32 s26, $0x9  }
0x43: {  	s26 =	sand.u32 $0x7F, s26  }
0x44: {  	s26 =	smul.u32 $0x3, s26;
	_ =	sdelay $0x1  }
0x45: {  	s26 =	ssub.s32 s23, s26  }
0x46: {  	s26 =	sand.u32 $0xFF, s26  }
0x47: {  	p0 =	seq.s32 s26, $0x2  }
.Ltmp6:
0x48: {  	_ = 	snop;
	(pc) =	sbr.rel @p0 .LBB2_7-.Ltmp6, $1  }
0x49: {  	_ =	sdelay $0x3  }
0x4a: {  	p0 =	seq.s32 s26, $0x1  }
.Ltmp7:
0x4b: {  	_ = 	snop;
	(pc) =	sbr.rel @!p0 .LBB2_5-.Ltmp7, $1  }
0x4c: {  	_ =	sdelay $0x3  }
0x4d: {  	_ =	swait.ge [sflag:s20], $0x2800  }
0x4e: {  	[sflag:s20] =	ssyncset.done $0x0  }
0x4f: {  	[sflag:s20] =	ssyncadd.s32 $0xFFFFD800  }
0x50: {  	[spmem:s3] =	stream.indirect.scatter.add.f32 [tilespmem:s16], [sflag:$0x4], $0x80, s24, s14, $0xb8;
	[tilespmem:$0x1C7A0] =	vst v63  }
.Ltmp8:
0x51: {  	_ = 	snop;
	(pc) =	sbr.rel .LBB2_8-.Ltmp8, $4  }
0x52: {  	_ =	swait.ge [sflag:s13], $0x2800  }
0x53: {  	p0 =	sgt.u32 s23, $0x15;
	[sflag:s13] =	ssyncset.done $0x0  }
0x54: {  	s26 =	simm.s32 @!p0 $0x50;
	s28 =	simm.s32 @!p0 $0x37A0;
	[sflag:s13] =	ssyncadd.s32 $0xFFFFD800  }
0x55: {  	[tilespmem:s28], [sflag:$0x2] =	stream.indirect.gather @!p0 [hbm4b:s1+s26], $0x80, s25, s26, $0xb8;
	[tilespmem:$0x1C7A0] =	vst v63  }
.LBB2_5:
0x56: {  	_ =	swait.ge [sflag:s21], $0x2800  }
0x57: {  	[sflag:s21] =	ssyncset.done $0x0  }
0x58: {  	[sflag:s21] =	ssyncadd.s32 $0xFFFFD800  }
0x59: {  	[spmem:s3] =	stream.indirect.scatter.add.f32 [tilespmem:s15], [sflag:$0x4], $0x80, s24, s14, $0xb8;
	[tilespmem:$0x1C7A0] =	vst v63  }
.Ltmp9:
0x5a: {  	_ = 	snop;
	(pc) =	sbr.rel .LBB2_8-.Ltmp9, $4  }
0x5b: {  	_ =	swait.ge [sflag:s13], $0x2800  }
0x5c: {  	p0 =	sgt.u32 s23, $0x15;
	[sflag:s13] =	ssyncset.done $0x0  }
0x5d: {  	s26 =	simm.s32 @!p0 $0x50;
	s28 =	simm.s32 @!p0 $0xFA0;
	[sflag:s13] =	ssyncadd.s32 $0xFFFFD800  }
0x5e: {  	[tilespmem:s28], [sflag:$0x1] =	stream.indirect.gather @!p0 [hbm4b:s1+s26], $0x80, s25, s26, $0xb8;
	[tilespmem:$0x1C7A0] =	vst v63  }
.LBB2_11:
0x5f: {  	_ =	sfence.sel $0x180000  }
0x60: {  	[bflag:$0x0] =	sbarrier.arrive $0xFFFF  }
0x61: {  	p0 =	sne.s32 s2, $0x0;
	_ =	strace $0x9000004D  }
0x62: {  	s0 =	sadd.s32 @!p0 $0x100000, s0;
	[bflag:$0x2] =	sbarrier.arrive $0xFFFF  }
0x63: {  	[sflag:s0] =	ssyncadd.tile.s32 @!p0 $0x1;
	_ =	shalt  }
.Lfunc_end2:
_tile_overlayer_lowered:
.L_overlay_start_2:
0x64: {  	(tag) =	ssettag $0x2  }
0x65: {  	s0 =	rddreg [dreg:$0x0];
	s2 =	stileid.u32  }
0x66: {  	s1 =	rddreg [dreg:$0x1];
	p0 =	sne.s32 s2, $0x0  }
0x67: {  	s3 =	rddreg [dreg:$0x2];
	[bflag:$0x3] =	sbarrier.arrive $0xFFFF;
	s2 =	simm.s32 @!p0 $0x1C04  }
0x68: {  	[timem:s3], [sflag:s2] =	dma.local @!p0 [hbm:s0], s1  }
0x69: {  	s0 =	simm.s32 @!p0 $0x4  }
0x6a: {  	_ =	swait.ge @!p0 [sflag:s0], s1  }
0x6b: {  	s1 =	ssub.s32 @!p0 $0x0, s1;
	[sflag:s0] =	ssyncset.done @!p0 $0x0  }
0x6c: {  	[sflag:s0] =	ssyncadd.s32 @!p0 s1  }
0x6d: {  	[bflag:$0x3] =	sbarrier.arrive $0xFFFF  }
0x6e: {  	_ =	shalt  }

// kernel: kernel.8.cloned.1.call-start
scs
__scs_entry_jumppad:
0x0: {  	(pc) =	sbr.rel $0x88, $3  }
0x1: {  	(tag) =	ssettag $0x0;
	lr =	simm.s32 $0x1  }
0x2: {  	[smem:$0x3F9B] =	sst lr;
	_ =	strace $0xD0000000  }
0x3: {  	_ = 	snop  }
0x4: {  	_ = 	snop  }
0x5: {  	_ = 	snop  }
0x6: {  	_ = 	snop  }
0x7: {  	_ = 	snop  }
__scs_overlays_trampoline_lowered:
0x8: {  	[smem:$0x3FAA] =	sst s0  }
0x9: {  	[smem:$0x3FAB] =	sst s1  }
0xa: {  	[smem:$0x3FAC] =	sst s2  }
0xb: {  	[smem:$0x3FAD] =	sst s3  }
0xc: {  	[smem:$0x3FAE] =	sst s4  }
0xd: {  	[smem:$0x3FAF] =	sst s5  }
0xe: {  	[smem:$0x3FB0] =	sst s6  }
0xf: {  	[smem:$0x3FB1] =	sst s7  }
0x10: {  	[smem:$0x3FB2] =	sst s8  }
0x11: {  	[smem:$0x3FB3] =	sst s9;
	s0 =	simm.s32 @!p0 $0x0  }
0x12: {  	s1 =	sld [smem:$0x3F99];
	s0 =	simm.s32 @p0 $0x1  }
0x13: {  	[smem:$0x3FB4] =	sst s0;
	s0 =	simm.s32 @!p1 $0x0  }
0x14: {  	s2 =	sld [smem:$0x3F98];
	s0 =	simm.s32 @p1 $0x1  }
0x15: {  	[smem:$0x3FB5] =	sst s0;
	s0 =	simm.s32 @!p2 $0x0  }
0x16: {  	s3 =	sld [smem:$0x3FDB];
	s0 =	simm.s32 @p2 $0x1  }
0x17: {  	s4 =	simm.s32 $0x1BF5;
	[smem:$0x3FB7] =	sst s0  }
0x18: {  	s0 =	sld [smem:$0x3F9A];
	_ =	swait.ge [sflag:s4], $0x0  }
0x19: {  	s7 =	sld [smem:$0x3F9B]  }
0x1a: {  	s8 =	sadd.s32 $0xFFFFE003, lr  }
0x1b: {  	s9 =	sadd.s32 $0xFFFFFEF7, lr;
	s5 =	simm.s32 $0xFFFFFFFF;
	p2 =	slt.u32 s8, $0xFFFFF086  }
0x1c: {  	p1 =	slt.u32 s9, $0xF7A;
	s5 =	simm.s32 @!p2 $0x0  }
0x1d: {  	s5 =	simm.s32 @p1 $0x1;
	p0 =	seq.s32 s7, s2  }
0x1e: {  	s7 =	smul.u32 @!p0 $0xF7A, s2;
	p2 =	seq.s32 @!p0 s5, $0x0  }
0x1f: {  	s9 =	smul.u32 $0xF7A, s1;
	s8 =	simm.s32 @!p0 $0x1BF5;
	p2 =	por !p2, p0  }
0x20: {  	[sflag:s8] =	ssyncset.s32 @!p0 $0xFFFFF086;
	s6 =	sadd.s32 @!p0 s3, s7;
	s7 =	simm.s32 @!p0 $0x108  }
0x21: {  	s3 =	sadd.s32 s3, s9;
	s6 =	sadd.s32 @!p0 $0x88, s6;
	s7 =	simm.s32 @p2 $0x1082  }
0x22: {  	[simem:s7], [sflag:s8] =	dma.local @!p0 [hbm:s6], $0xF7A  }
0x23: {  	s9 =	sor.u32 $0xD0000000, s2;
	s6 =	simm.s32 $0x108;
	_ =	swait.ge @!p0 [sflag:s8], $0x0  }
0x24: {  	s3 =	sadd.s32 $0x88, s3;
	s6 =	simm.s32 @!p1 $0x1082;
	[sflag:s4] =	ssyncset.s32 $0xFFFFF086  }
0x25: {  	[simem:s6], [sflag:s4] =	dma.local [hbm:s3], $0xF7A  }
0x26: {  	[smem:$0x3F9B] =	sst s1;
	(tag) =	ssettag s2;
	_ =	strace s9  }
0x27: {  	s1 =	sld [smem:$0x3FAB]  }
0x28: {  	s2 =	sld [smem:$0x3FAC]  }
0x29: {  	s4 =	sld [smem:$0x3FAE]  }
0x2a: {  	p0 =	seq.s32 s5, $0x0;
	s5 =	sld [smem:$0x3FAF]  }
0x2b: {  	s6 =	sld [smem:$0x3FB0]  }
0x2c: {  	s7 =	sld [smem:$0x3FB1]  }
0x2d: {  	s3 =	simm.s32 $0x108;
	s8 =	sld [smem:$0x3FB2]  }
0x2e: {  	s3 =	simm.s32 @!p0 $0x1082;
	s9 =	sld [smem:$0x3FB3]  }
0x2f: {  	lr =	sadd.s32 s0, s3;
	s0 =	sld [smem:$0x3FAA]  }
0x30: {  	s3 =	sld [smem:$0x3FAD]  }
0x31: {  	[smem:$0x3FB6] =	sst s10  }
0x32: {  	s10 =	sld [smem:$0x3FB4];
	_ =	sdelay $0x3  }
0x33: {  	p0 =	seq.s32 s10, $0x1;
	s10 =	sld [smem:$0x3FB6];
	_ =	sdelay $0x3  }
0x34: {  	[smem:$0x3FB6] =	sst s10  }
0x35: {  	s10 =	sld [smem:$0x3FB5];
	_ =	sdelay $0x3  }
0x36: {  	p1 =	seq.s32 s10, $0x1;
	s10 =	sld [smem:$0x3FB6];
	_ =	sdelay $0x3  }
0x37: {  	[smem:$0x3FB6] =	sst s10  }
0x38: {  	s10 =	sld [smem:$0x3FB7]  }
0x39: {  	_ = 	snop;
	(pc) =	sbr.ind lr, $3  }
0x3a: {  	_ = 	snop  }
0x3b: {  	_ = 	snop  }
0x3c: {  	p2 =	seq.s32 s10, $0x1;
	s10 =	sld [smem:$0x3FB6]  }
0x3d: {  	_ =	shalt  }
0x3e: {  	_ =	shalt  }
0x3f: {  	_ =	shalt  }
0x40: {  	_ =	shalt  }
0x41: {  	_ =	shalt  }
0x42: {  	_ =	shalt  }
0x43: {  	_ =	shalt  }
0x44: {  	_ =	shalt  }
0x45: {  	_ =	shalt  }
0x46: {  	_ =	shalt  }
0x47: {  	_ =	shalt  }
0x48: {  	_ =	shalt  }
0x49: {  	_ =	shalt  }
0x4a: {  	_ =	shalt  }
0x4b: {  	_ =	shalt  }
0x4c: {  	_ =	shalt  }
0x4d: {  	_ =	shalt  }
0x4e: {  	_ =	shalt  }
0x4f: {  	_ =	shalt  }
0x50: {  	_ =	shalt  }
0x51: {  	_ =	shalt  }
0x52: {  	_ =	shalt  }
0x53: {  	_ =	shalt  }
0x54: {  	_ =	shalt  }
0x55: {  	_ =	shalt  }
0x56: {  	_ =	shalt  }
0x57: {  	_ =	shalt  }
0x58: {  	_ =	shalt  }
0x59: {  	_ =	shalt  }
0x5a: {  	_ =	shalt  }
0x5b: {  	_ =	shalt  }
0x5c: {  	_ =	shalt  }
0x5d: {  	_ =	shalt  }
0x5e: {  	_ =	shalt  }
0x5f: {  	_ =	shalt  }
0x60: {  	_ =	shalt  }
0x61: {  	_ =	shalt  }
0x62: {  	_ =	shalt  }
0x63: {  	_ =	shalt  }
0x64: {  	_ =	shalt  }
0x65: {  	_ =	shalt  }
0x66: {  	_ =	shalt  }
0x67: {  	_ =	shalt  }
0x68: {  	_ =	shalt  }
0x69: {  	_ =	shalt  }
0x6a: {  	_ =	shalt  }
0x6b: {  	_ =	shalt  }
0x6c: {  	_ =	shalt  }
0x6d: {  	_ =	shalt  }
0x6e: {  	_ =	shalt  }
0x6f: {  	_ =	shalt  }
0x70: {  	_ =	shalt  }
0x71: {  	_ =	shalt  }
0x72: {  	_ =	shalt  }
0x73: {  	_ =	shalt  }
0x74: {  	_ =	shalt  }
0x75: {  	_ =	shalt  }
0x76: {  	_ =	shalt  }
0x77: {  	_ =	shalt  }
0x78: {  	_ =	shalt  }
0x79: {  	_ =	shalt  }
0x7a: {  	_ =	shalt  }
0x7b: {  	_ =	shalt  }
0x7c: {  	_ =	shalt  }
0x7d: {  	_ =	shalt  }
0x7e: {  	_ =	shalt  }
0x7f: {  	_ =	shalt  }
0x80: {  	_ =	shalt  }
0x81: {  	_ =	shalt  }
0x82: {  	_ =	shalt  }
0x83: {  	_ =	shalt  }
0x84: {  	_ =	shalt  }
0x85: {  	_ =	shalt  }
0x86: {  	_ =	shalt  }
0x87: {  	_ =	shalt  }
.Lfunc_end0:
.L_simem_size_0:
called_computation_lowered:
.L_overlay_start_0:
0x88: {  	s2 =	sld [smem:$0x3FD9]  }
0x89: {  	s3 =	sld [smem:$0x3FFE];
	_ =	sdelay $0x1  }
0x8a: {  	s1 =	srdreg.scid  }
0x8b: {  	s0 =	sand.u32 $0x1, s1  }
0x8c: {  	s14 =	sshll.u32 s0, $0xA;
	s2 =	sadd.s32 s3, s2  }
0x8d: {  	s2 =	sadd.s32 s2, s14  }
0x8e: {  	[smem:$0x3FC2] =	sst s2  }
0x8f: {  	_ = 	snop  }
0x90: {  	s2 =	sld [smem:$0x3FD0];
	_ =	sdelay $0x2  }
0x91: {  	s15 =	simm.s32 $0xA;
	s4 =	simm.s32 $0x10  }
0x92: {  	[smem:s4], [sflag:s15] =	dma.local [hbm:s2], $0x1  }
0x93: {  	_ =	swait.eq [sflag:s15], $0x1  }
0x94: {  	[sflag:s15] =	ssyncset.done $0x0  }
0x95: {  	[sflag:s15] =	ssyncadd.s32 $0xFFFFFFFF  }
0x96: {  	s16 =	sld [smem:$0x10];
	(tm) =	ssettm $0x1  }
0x97: {  	s17 =	sld [smem:$0x3FFB];
	_ =	sdelay $0x3  }
0x98: {  	_ =	strace s17  }
0x99: {  	s3 =	sld [smem:$0x3FFC];
	_ =	sdelay $0x3  }
0x9a: {  	_ =	strace s3  }
0x9b: {  	s3 =	sld [smem:$0x3FFD];
	_ =	sdelay $0x3  }
0x9c: {  	_ =	strace s3  }
0x9d: {  	_ =	strace $0x8FFFFFFF  }
0x9e: {  	s18 =	sld [smem:$0x3FDB];
	_ =	sdelay $0x1  }
0x9f: {  	s19 =	simm.s32 $_scs_section_size  }
0xa0: {  	s5 =	simm.s32 $_size__tile_overlayer_lowered;
	s6 =	simm.s32 $_tile_overlayer_lowered  }
0xa1: {  	s22 =	simm.s32 $0x1BFF;
	s21 =	sshll.u32 s6, $0x1;
	s3 =	sadd.s32 s19, s18  }
0xa2: {  	s7 =	simm.s32 $0x0;
	s20 =	sshll.u32 s5, $0x1;
	s5 =	sadd.s32 s21, s3  }
0xa3: {  	[timem:s7], [sflag:s22] =	dma.local [hbm:s5], s20  }
0xa4: {  	_ =	swait.ge [sflag:s22], s20  }
0xa5: {  	s4 =	ssub.s32 $0x0, s20;
	[sflag:s22] =	ssyncset.done $0x0  }
0xa6: {  	[sflag:s22] =	ssyncadd.s32 s4;
	_ =	sdelay $0x1  }
0xa7: {  	s23 =	simm.s32 $0x1B8B  }
0xa8: {  	_ =	swait.ge [sflag:s23], $0x1  }
0xa9: {  	[sflag:s23] =	ssyncset.done $0x0  }
0xaa: {  	s25 =	simm.s32 $0x1B8E;
	s24 =	sld [smem:$0x3FFE];
	[sflag:s23] =	ssyncadd.s32 $0xFFFFFFFF  }
0xab: {  	s26 =	simm.s32 $execute0_lowered;
	[smem:$0x3FD2] =	sst s25  }
0xac: {  	s5 =	sshll.u32 s26, $0x1;
	_ =	strace $0x80000046;
	[dreg:$0x1] =	wrdreg $0xFFFFFFFF  }
0xad: {  	s28 =	simm.s32 $_size_execute0_lowered;
	s3 =	sadd.s32 s3, s5;
	[dreg:$0x0] =	wrdreg $0x0  }
0xae: {  	s5 =	sshll.u32 s28, $0x1;
	[dreg:$0x2] =	wrdreg s3  }
0xaf: {  	[dreg:$0x3] =	wrdreg s5  }
0xb0: {  	[dreg:$0x4] =	wrdreg $0xC0  }
0xb1: {  	_ =	task [dreg:s7], $0x5FFFF  }
0xb2: {  	[dreg:$0x1] =	wrdreg $0xFFFFFFFF  }
0xb3: {  	[dreg:$0x0] =	wrdreg $0x60  }
0xb4: {  	[dreg:$0x2] =	wrdreg s24  }
0xb5: {  	[dreg:$0x3] =	wrdreg s16  }
0xb6: {  	[dreg:$0x4] =	wrdreg $0x2C100  }
0xb7: {  	[dreg:$0x5] =	wrdreg $0x9  }
0xb8: {  	_ =	task.clear_ibuf [dreg:s7], $0x6FFFF;
	_ =	strace $0x90000046  }
0xb9: {  	s29 =	simm.s32 $0x9;
	_ =	strace $0x80000048  }
0xba: {  	_ =	swait.ge [sflag:s29], $0x1  }
0xbb: {  	[sflag:s29] =	ssyncadd.s32 $0xFFFFFFFF  }
0xbc: {  	_ =	strace $0x90000048  }
0xbd: {  	_ =	sfence  }
0xbe: {  	s30 =	sld [smem:$0x0];
	_ =	sdelay $0x2  }
0xbf: {  	s31 =	sshll.u32 s1, $0xD;
	s1 =	sshrl.u32 s1, $0x2  }
0xc0: {  	s3 =	sand.u32 $0x4000, s31;
	s1 =	sadd.s32 s1, s30  }
0xc1: {  	s0 =	sor.u32 s3, s0;
	s1 =	sshll.u32 s1, $0x11  }
0xc2: {  	s0 =	sor.u32 s1, s0  }
0xc3: {  	s0 =	sadd.s32 $0x8F2B, s0  }
0xc4: {  	[sflag:s0] =	ssyncadd.remote.s32 $0x1  }
0xc5: {  	_ =	sfence.sel $0xFFFF  }
0xc6: {  	[dreg:$0x0] =	wrdreg $0xFFFFFFFF;
	(pc) =	sbr.abs _section_cstart, $3  }
0xc7: {  	[dreg:$0x1] =	wrdreg $0xFFFFFFFF  }
0xc8: {  	_ =	task.clear_ibuf [dreg:s7], $0x2FFFF;
	_ =	strace $0x9FFFFFFF  }
0xc9: {  	(tm) =	ssettm $0x7FFFFFFF  }
tec
execute0_lowered:
.L_overlay_start_1:
0x0: {  	(tag) =	ssettag $0x1  }
0x1: {  	s5 =	rddreg [dreg:$0x0];
	s1 =	srdreg.scid  }
0x2: {  	s0 =	stileid.u32;
	s7 =	rddreg [dreg:$0x1]  }
0x3: {  	s2 =	rddreg [dreg:$0x2];
	s3 =	simm.s32 $0x0;
	s13 =	simm.s32 $0x50  }
0x4: {  	s14 =	simm.s32 $0x0;
	s4 =	sand.u32 $0x1, s1;
	s1 =	rddreg [dreg:$0x3]  }
0x5: {  	s29 =	sshll.u32 s0, $0x1;
	[smem:$0x7FF] =	sst s3;
	s8 =	smul.u32 $0x2800, s0  }
0x6: {  	s31 =	sshll.u32 s0, $0x6;
	s6 =	sor.u32 s4, s29;
	_ =	strace $0x80000047  }
0x7: {  	s9 =	ssub.s32 $0x2, s4;
	s10 =	smul.u32 $0x28000, s4;
	s4 =	sadd.s32 $0x15600, s5  }
0x8: {  	s6 =	smul.u32 $0x4E2, s6;
	s11 =	sshrl.u32 s9, $0x1;
	s12 =	sadd.s32 s8, s2  }
0x9: {  	s9 =	ssub.s32 s9, s11;
	s10 =	sadd.s32 s8, s10;
	s11 =	sor.u32 $0x1C01, s31  }
0xa: {  	s12 =	sshrl.u32 s12, $0x3;
	s6 =	sadd.s32 s6, s5;
	s5 =	sadd.s32 $0x15800, s5  }
0xb: {  	s30 =	sshrl.u32 s10, $0x3;
	s8 =	smax.u32 s9, $0x1;
	s9 =	simm.s32 $0x1  }
0xc: {  	s10 =	simm.s32 $0x2710;
	s6 =	sadd.s32 $0xB800, s6;
	s7 =	sadd.s32 s7, s30  }
.LBB2_1:
0xd: {  	[tilespmem:s3], [sflag:$0x1] =	stream.linear.gather [hbm4b:s6+s3], $0x2710, $0x38;
	[tilespmem:$0x5410] =	vst v63  }
0xe: {  	_ =	swait.ge [sflag:s9], $0x2710  }
0xf: {  	[sflag:s9] =	ssyncset.done $0x0  }
0x10: {  	[sflag:s9] =	ssyncadd.s32 $0xFFFFD8F0  }
0x11: {  	[tilespmem:s10], [sflag:$0x1] =	stream.linear.gather [hbm4b:s4+s3], $0x500, $0x38;
	[tilespmem:$0x5410] =	vst v63  }
0x12: {  	_ =	swait.ge [sflag:s9], $0x500  }
0x13: {  	[sflag:s9] =	ssyncset.done $0x0  }
0x14: {  	[sflag:s9] =	ssyncadd.s32 $0xFFFFFB00  }
0x15: {  	[spmem:s12], [sflag:s11] =	dma.local [hbm:s5], $0x500  }
0x16: {  	_ =	swait.ge [sflag:s9], $0x500  }
0x17: {  	[sflag:s9] =	ssyncset.done $0x0  }
0x18: {  	[sflag:s9] =	ssyncadd.s32 $0xFFFFFB00  }
0x19: {  	s15 =	simm.s32 $0x0;
	[bflag:$0x0] =	sbarrier.arrive $0xFFFF  }
0x1a: {  	[spmem:s2] =	stream.indirect.scatter.add.f32 [tilespmem:s10], [sflag:$0x1], $0x10, s15, s13, $0xb8;
	[tilespmem:$0x5410] =	vst v63  }
0x1b: {  	_ =	swait.ge [sflag:s9], $0x500  }
0x1c: {  	s15 =	simm.s32 $0x140;
	[sflag:s9] =	ssyncset.done $0x0  }
.LBB2_2:
0x1d: {  	s16 =	sshra.s32 s15, $0x2;
	[sflag:s9] =	ssyncadd.s32 $0xFFFFFB00;
	p0 =	sne.s32 s15, $0x9B00  }
0x1e: {  	[spmem:s2] =	stream.indirect.scatter.add.f32 [tilespmem:s10], [sflag:$0x1], $0x10, s16, s13, $0xb8;
	[tilespmem:$0x5410] =	vst v63  }
.Ltmp0:
0x1f: {  	_ = 	snop;
	(pc) =	sbr.rel @p0 .LBB2_2-.Ltmp0, $4  }
0x20: {  	_ = 	snop  }
0x21: {  	s15 =	sadd.s32 $0x140, s15  }
0x22: {  	_ =	swait.ge [sflag:s9], $0x500  }
0x23: {  	[sflag:s9] =	ssyncset.done $0x0  }
0x24: {  	s14 =	sadd.s32 $0x1, s14  }
0x25: {  	[sflag:s9] =	ssyncadd.s32 $0xFFFFFB00;
	p0 =	sne.s32 s14, s8  }
.Ltmp1:
0x26: {  	[bflag:$0x0] =	sbarrier.arrive $0xFFFF;
	(pc) =	sbr.rel @p0 .LBB2_1-.Ltmp1, $4  }
0x27: {  	[hbm:s7], [sflag:s11] =	dma.local [spmem:s12], $0x500  }
0x28: {  	_ =	swait.ge [sflag:s9], $0x500  }
0x29: {  	[sflag:s9] =	ssyncset.done $0x0  }
0x2a: {  	[sflag:s9] =	ssyncadd.s32 $0xFFFFFB00  }
0x2b: {  	_ =	sfence.sel $0x180000  }
0x2c: {  	[bflag:$0x0] =	sbarrier.arrive $0xFFFF  }
0x2d: {  	p0 =	sne.s32 s0, $0x0;
	_ =	strace $0x90000047  }
0x2e: {  	s0 =	sadd.s32 @!p0 $0x100000, s1;
	[bflag:$0x2] =	sbarrier.arrive $0xFFFF  }
0x2f: {  	[sflag:s0] =	ssyncadd.tile.s32 @!p0 $0x1;
	_ =	shalt  }
.Lfunc_end2:
_tile_overlayer_lowered:
.L_overlay_start_2:
0x30: {  	(tag) =	ssettag $0x2  }
0x31: {  	s0 =	rddreg [dreg:$0x0];
	s2 =	stileid.u32  }
0x32: {  	s1 =	rddreg [dreg:$0x1];
	p0 =	sne.s32 s2, $0x0  }
0x33: {  	s3 =	rddreg [dreg:$0x2];
	[bflag:$0x3] =	sbarrier.arrive $0xFFFF;
	s2 =	simm.s32 @!p0 $0x1C01  }
0x34: {  	[timem:s3], [sflag:s2] =	dma.local @!p0 [hbm:s0], s1  }
0x35: {  	s0 =	simm.s32 @!p0 $0x1  }
0x36: {  	_ =	swait.ge @!p0 [sflag:s0], s1  }
0x37: {  	s1 =	ssub.s32 @!p0 $0x0, s1;
	[sflag:s0] =	ssyncset.done @!p0 $0x0  }
0x38: {  	[sflag:s0] =	ssyncadd.s32 @!p0 s1  }
0x39: {  	[bflag:$0x3] =	sbarrier.arrive $0xFFFF  }
0x3a: {  	_ =	shalt  }

</sc_bundles>
